<compile_context>
chip_gen: v7x
topology: tpu7x:2x2x1
jax: 0.10.2.dev20260603
libtpu: 0.0.44.dev20260713+nightly
codegen_flags: <defaults>
</compile_context>

<pallas_src>
import functools

import jax
import jax.numpy as jnp
from jax import lax
from jax.experimental import pallas as pl
from jax.experimental.pallas import tpu as pltpu
from jax.experimental.pallas import tpu_sc as plsc

B, C, H, W = 8, 96, 112, 112
NIMG = B * C
NW = 32
IMGS_PER_W = NIMG // NW
HH = H // 2
UNITS_PER_W = IMGS_PER_W * 2
L = 16


def _sc_unpool(x):
    mesh = plsc.VectorSubcoreMesh(core_axis_name="c", subcore_axis_name="s")

    @functools.partial(
        pl.kernel,
        mesh=mesh,
        out_type=jax.ShapeDtypeStruct((NIMG, 2 * H, 2 * W), jnp.float32),
        compiler_params=pltpu.CompilerParams(needs_layout_passes=False),
        scratch_types=[
            pltpu.VMEM((1, HH, W), jnp.float32),
            pltpu.VMEM((1, HH, W), jnp.float32),
            pltpu.VMEM((1, 2 * HH, 2 * W), jnp.float32),
            pltpu.VMEM((1, 2 * HH, 2 * W), jnp.float32),
            pltpu.SemaphoreType.DMA,
            pltpu.SemaphoreType.DMA,
            pltpu.SemaphoreType.DMA,
            pltpu.SemaphoreType.DMA,
        ],
    )
    def k(in_hbm, out_hbm, iv0, iv1, ov0, ov1, si0, si1, so0, so1):
        in_bufs = (iv0, iv1)
        out_bufs = (ov0, ov1)
        in_sems = (si0, si1)
        out_sems = (so0, so1)
        wid = lax.axis_index("s") * 2 + lax.axis_index("c")
        img0 = wid * IMGS_PER_W
        iota = lax.iota(jnp.int32, L)
        zeros = jnp.zeros((L,), jnp.float32)

        def in_slice(u):
            return in_hbm.at[
                pl.ds(img0 + u // 2, 1), pl.ds((u % 2) * HH, HH)
            ]

        def out_slice(u):
            return out_hbm.at[
                pl.ds(img0 + u // 2, 1), pl.ds((u % 2) * 2 * HH, 2 * HH)
            ]

        def zrow(r, _):
            for bb in range(2):
                for g in range(2 * W // L):
                    out_bufs[bb][0, r, pl.ds(g * L, L)] = zeros
            return 0

        lax.fori_loop(0, 2 * HH, zrow, 0)

        pltpu.async_copy(in_slice(0), in_bufs[0], in_sems[0])

        def step(i, _):
            for b in range(2):
                u = i * 2 + b
                nxt = u + 1

                @pl.when(nxt < UNITS_PER_W)
                def _():
                    pltpu.async_copy(
                        in_slice(nxt), in_bufs[1 - b], in_sems[1 - b]
                    )

                pltpu.make_async_copy(
                    in_slice(u), in_bufs[b], in_sems[b]
                ).wait()

                @pl.when(u >= 2)
                def _():
                    pltpu.make_async_copy(
                        out_bufs[b], out_slice(u), out_sems[b]
                    ).wait()

                def rbody(rr, _):
                    zi = iota * 0
                    for s in range(2):
                        r = rr * 2 + s
                        row_idx = zi + (2 * r + 1)
                        for g in range(W // L):
                            vals = in_bufs[b][0, r, pl.ds(g * L, L)]
                            idx = (2 * L * g + 1) + 2 * iota
                            plsc.store_scatter(
                                out_bufs[b], [zi, row_idx, idx], vals
                            )
                    return 0

                lax.fori_loop(0, HH // 2, rbody, 0)
                pltpu.async_copy(out_bufs[b], out_slice(u), out_sems[b])
            return 0

        lax.fori_loop(0, UNITS_PER_W // 2, step, 0)
        pltpu.make_async_copy(
            out_bufs[0], out_slice(UNITS_PER_W - 2), out_sems[0]
        ).wait()
        pltpu.make_async_copy(
            out_bufs[1], out_slice(UNITS_PER_W - 1), out_sems[1]
        ).wait()

    return k(x)


def kernel(input):
    out = _sc_unpool(input.reshape(NIMG, H, W))
    return out.reshape(B, C, 2 * H, 2 * W)

# --- scband reference (transcript-rebuilt; emitter-appended) ---
"""Pipeline reference for scband-corner2d-max-unpool-16338055594562 (READ-ONLY COPY).

The authoritative reference and input builder live on the scoring server;
editing this copy changes nothing except your own understanding.
"""

import jax, jax.numpy as jnp
import numpy as np

KERNEL_SIZE = 2

def _corner_indexes(height, width, k):
    new_h = height * k
    new_w = width * k
    idx = np.array([i * new_w + j
                    for i in range(k - 1, new_h, k)
                    for j in range(k - 1, new_w, k)], dtype=np.int64)
    return idx  # length height*width


def setup_inputs(seed: int = 0) -> dict:
    key = jax.random.key(seed)
    x = jax.random.normal(key, (8, 96, 112, 112), dtype=jnp.float32)
    return {"input": x}


def reference(input):
    k = KERNEL_SIZE
    b, c, h, w = input.shape
    assert h % k == 0 and w % k == 0, 'Invalid kernel size.'
    new_h = h * k
    new_w = w * k
    idx = jnp.asarray(_corner_indexes(h, w, k))  # [h*w] flat positions in output
    flat_in = input.reshape(b, c, h * w)
    out_flat = jnp.zeros((b, c, new_h * new_w), dtype=input.dtype)
    # scatter-overwrite: place each pooled value at the bottom-right corner of its cell
    out_flat = out_flat.at[:, :, idx].set(flat_in)
    return out_flat.reshape(b, c, new_h, new_w)

if __name__ == "__main__":
    import jax
    _d = setup_inputs()
    print(jax.jit(kernel)(*tuple(_d.values())))

</pallas_src>

<mosaic_0001>
#map = affine_map<(d0, d1) -> (0, 0, 0)>
module attributes {stable_mosaic.version = 14 : i64} {
  func.func @k(%arg0: i32, %arg1: i32, %arg2: memref<768x112x112xf32, #tpu.memory_space<hbm>>, %arg3: memref<768x224x224xf32, #tpu.memory_space<hbm>>, %arg4: memref<1x56x112xf32, #tpu.memory_space<vmem>>, %arg5: memref<1x56x112xf32, #tpu.memory_space<vmem>>, %arg6: memref<1x112x224xf32, #tpu.memory_space<vmem>>, %arg7: memref<1x112x224xf32, #tpu.memory_space<vmem>>, %arg8: memref<!tpu.dma_semaphore, #tpu.memory_space<semaphore_mem>>, %arg9: memref<!tpu.dma_semaphore, #tpu.memory_space<semaphore_mem>>, %arg10: memref<!tpu.dma_semaphore, #tpu.memory_space<semaphore_mem>>, %arg11: memref<!tpu.dma_semaphore, #tpu.memory_space<semaphore_mem>>) attributes {dimension_semantics = [#tpu.dimension_semantics<core_parallel>, #tpu.dimension_semantics<subcore_parallel>], iteration_bounds = array<i64: 2, 16>, scalar_prefetch = 0 : i64, scratch_operands = 8 : i64, tpu.core_type = #tpu.core_type<sc_vector_subcore>, window_params = [{transform_indices = #map}, {transform_indices = #map}]} {
    %mul3A = arith.constant 2 : i32
    %mul3A_0 = arith.muli %arg1, %mul3A : i32
    %add3A = arith.addi %mul3A_0, %arg0 : i32
    %mul3A_1 = arith.constant 24 : i32
    %mul3A_2 = arith.muli %add3A, %mul3A_1 : i32
    %iota3A = tpu.iota {dimensions = array<i32: 0>} : vector<16xi32>
    %broadcast_in_dim3A = arith.constant 0.000000e+00 : f32
    %broadcast_in_dim3A_3 = vector.broadcast %broadcast_in_dim3A : f32 to vector<16xf32>
    %scan3A = arith.constant 0 : i32
    %scan3A_4 = arith.constant 0 : i32
    %scan3A_5 = arith.constant 112 : i32
    %scan3A_6 = arith.addi %scan3A_4, %scan3A_5 : i32
    %scan3A_7 = arith.constant 1 : i32
    %scan3A_8 = scf.for %scan3A_39 = %scan3A_4 to %scan3A_6 step %scan3A_7 iter_args(%scan3A_40 = %scan3A) -> (i32)  : i32 {
      %swap3A = arith.constant 0 : i32
      %swap3A_41 = arith.index_cast %swap3A : i32 to index
      %swap3A_42 = arith.index_cast %scan3A_39 : i32 to index
      %swap3A_43 = arith.constant 0 : index
      %swap3A_44 = tpu.vector_load %arg6[%swap3A_41, %swap3A_42, %swap3A_43] {strides = array<i32>} : memref<1x112x224xf32, #tpu.memory_space<vmem>>, vector<16xf32>,
      tpu.vector_store %arg6[%swap3A_41, %swap3A_42, %swap3A_43], %broadcast_in_dim3A_3 {strides = array<i32>} : memref<1x112x224xf32, #tpu.memory_space<vmem>>, vector<16xf32>,
      %swap3A_45 = arith.constant 0 : i32
      %swap3A_46 = arith.index_cast %swap3A_45 : i32 to index
      %swap3A_47 = arith.index_cast %scan3A_39 : i32 to index
      %swap3A_48 = arith.constant 16 : index
      %swap3A_49 = tpu.vector_load %arg6[%swap3A_46, %swap3A_47, %swap3A_48] {strides = array<i32>} : memref<1x112x224xf32, #tpu.memory_space<vmem>>, vector<16xf32>,
      tpu.vector_store %arg6[%swap3A_46, %swap3A_47, %swap3A_48], %broadcast_in_dim3A_3 {strides = array<i32>} : memref<1x112x224xf32, #tpu.memory_space<vmem>>, vector<16xf32>,
      %swap3A_50 = arith.constant 0 : i32
      %swap3A_51 = arith.index_cast %swap3A_50 : i32 to index
      %swap3A_52 = arith.index_cast %scan3A_39 : i32 to index
      %swap3A_53 = arith.constant 32 : index
      %swap3A_54 = tpu.vector_load %arg6[%swap3A_51, %swap3A_52, %swap3A_53] {strides = array<i32>} : memref<1x112x224xf32, #tpu.memory_space<vmem>>, vector<16xf32>,
      tpu.vector_store %arg6[%swap3A_51, %swap3A_52, %swap3A_53], %broadcast_in_dim3A_3 {strides = array<i32>} : memref<1x112x224xf32, #tpu.memory_space<vmem>>, vector<16xf32>,
      %swap3A_55 = arith.constant 0 : i32
      %swap3A_56 = arith.index_cast %swap3A_55 : i32 to index
      %swap3A_57 = arith.index_cast %scan3A_39 : i32 to index
      %swap3A_58 = arith.constant 48 : index
      %swap3A_59 = tpu.vector_load %arg6[%swap3A_56, %swap3A_57, %swap3A_58] {strides = array<i32>} : memref<1x112x224xf32, #tpu.memory_space<vmem>>, vector<16xf32>,
      tpu.vector_store %arg6[%swap3A_56, %swap3A_57, %swap3A_58], %broadcast_in_dim3A_3 {strides = array<i32>} : memref<1x112x224xf32, #tpu.memory_space<vmem>>, vector<16xf32>,
      %swap3A_60 = arith.constant 0 : i32
      %swap3A_61 = arith.index_cast %swap3A_60 : i32 to index
      %swap3A_62 = arith.index_cast %scan3A_39 : i32 to index
      %swap3A_63 = arith.constant 64 : index
      %swap3A_64 = tpu.vector_load %arg6[%swap3A_61, %swap3A_62, %swap3A_63] {strides = array<i32>} : memref<1x112x224xf32, #tpu.memory_space<vmem>>, vector<16xf32>,
      tpu.vector_store %arg6[%swap3A_61, %swap3A_62, %swap3A_63], %broadcast_in_dim3A_3 {strides = array<i32>} : memref<1x112x224xf32, #tpu.memory_space<vmem>>, vector<16xf32>,
      %swap3A_65 = arith.constant 0 : i32
      %swap3A_66 = arith.index_cast %swap3A_65 : i32 to index
      %swap3A_67 = arith.index_cast %scan3A_39 : i32 to index
      %swap3A_68 = arith.constant 80 : index
      %swap3A_69 = tpu.vector_load %arg6[%swap3A_66, %swap3A_67, %swap3A_68] {strides = array<i32>} : memref<1x112x224xf32, #tpu.memory_space<vmem>>, vector<16xf32>,
      tpu.vector_store %arg6[%swap3A_66, %swap3A_67, %swap3A_68], %broadcast_in_dim3A_3 {strides = array<i32>} : memref<1x112x224xf32, #tpu.memory_space<vmem>>, vector<16xf32>,
      %swap3A_70 = arith.constant 0 : i32
      %swap3A_71 = arith.index_cast %swap3A_70 : i32 to index
      %swap3A_72 = arith.index_cast %scan3A_39 : i32 to index
      %swap3A_73 = arith.constant 96 : index
      %swap3A_74 = tpu.vector_load %arg6[%swap3A_71, %swap3A_72, %swap3A_73] {strides = array<i32>} : memref<1x112x224xf32, #tpu.memory_space<vmem>>, vector<16xf32>,
      tpu.vector_store %arg6[%swap3A_71, %swap3A_72, %swap3A_73], %broadcast_in_dim3A_3 {strides = array<i32>} : memref<1x112x224xf32, #tpu.memory_space<vmem>>, vector<16xf32>,
      %swap3A_75 = arith.constant 0 : i32
      %swap3A_76 = arith.index_cast %swap3A_75 : i32 to index
      %swap3A_77 = arith.index_cast %scan3A_39 : i32 to index
      %swap3A_78 = arith.constant 112 : index
      %swap3A_79 = tpu.vector_load %arg6[%swap3A_76, %swap3A_77, %swap3A_78] {strides = array<i32>} : memref<1x112x224xf32, #tpu.memory_space<vmem>>, vector<16xf32>,
      tpu.vector_store %arg6[%swap3A_76, %swap3A_77, %swap3A_78], %broadcast_in_dim3A_3 {strides = array<i32>} : memref<1x112x224xf32, #tpu.memory_space<vmem>>, vector<16xf32>,
      %swap3A_80 = arith.constant 0 : i32
      %swap3A_81 = arith.index_cast %swap3A_80 : i32 to index
      %swap3A_82 = arith.index_cast %scan3A_39 : i32 to index
      %swap3A_83 = arith.constant 128 : index
      %swap3A_84 = tpu.vector_load %arg6[%swap3A_81, %swap3A_82, %swap3A_83] {strides = array<i32>} : memref<1x112x224xf32, #tpu.memory_space<vmem>>, vector<16xf32>,
      tpu.vector_store %arg6[%swap3A_81, %swap3A_82, %swap3A_83], %broadcast_in_dim3A_3 {strides = array<i32>} : memref<1x112x224xf32, #tpu.memory_space<vmem>>, vector<16xf32>,
      %swap3A_85 = arith.constant 0 : i32
      %swap3A_86 = arith.index_cast %swap3A_85 : i32 to index
      %swap3A_87 = arith.index_cast %scan3A_39 : i32 to index
      %swap3A_88 = arith.constant 144 : index
      %swap3A_89 = tpu.vector_load %arg6[%swap3A_86, %swap3A_87, %swap3A_88] {strides = array<i32>} : memref<1x112x224xf32, #tpu.memory_space<vmem>>, vector<16xf32>,
      tpu.vector_store %arg6[%swap3A_86, %swap3A_87, %swap3A_88], %broadcast_in_dim3A_3 {strides = array<i32>} : memref<1x112x224xf32, #tpu.memory_space<vmem>>, vector<16xf32>,
      %swap3A_90 = arith.constant 0 : i32
      %swap3A_91 = arith.index_cast %swap3A_90 : i32 to index
      %swap3A_92 = arith.index_cast %scan3A_39 : i32 to index
      %swap3A_93 = arith.constant 160 : index
      %swap3A_94 = tpu.vector_load %arg6[%swap3A_91, %swap3A_92, %swap3A_93] {strides = array<i32>} : memref<1x112x224xf32, #tpu.memory_space<vmem>>, vector<16xf32>,
      tpu.vector_store %arg6[%swap3A_91, %swap3A_92, %swap3A_93], %broadcast_in_dim3A_3 {strides = array<i32>} : memref<1x112x224xf32, #tpu.memory_space<vmem>>, vector<16xf32>,
      %swap3A_95 = arith.constant 0 : i32
      %swap3A_96 = arith.index_cast %swap3A_95 : i32 to index
      %swap3A_97 = arith.index_cast %scan3A_39 : i32 to index
      %swap3A_98 = arith.constant 176 : index
      %swap3A_99 = tpu.vector_load %arg6[%swap3A_96, %swap3A_97, %swap3A_98] {strides = array<i32>} : memref<1x112x224xf32, #tpu.memory_space<vmem>>, vector<16xf32>,
      tpu.vector_store %arg6[%swap3A_96, %swap3A_97, %swap3A_98], %broadcast_in_dim3A_3 {strides = array<i32>} : memref<1x112x224xf32, #tpu.memory_space<vmem>>, vector<16xf32>,
      %swap3A_100 = arith.constant 0 : i32
      %swap3A_101 = arith.index_cast %swap3A_100 : i32 to index
      %swap3A_102 = arith.index_cast %scan3A_39 : i32 to index
      %swap3A_103 = arith.constant 192 : index
      %swap3A_104 = tpu.vector_load %arg6[%swap3A_101, %swap3A_102, %swap3A_103] {strides = array<i32>} : memref<1x112x224xf32, #tpu.memory_space<vmem>>, vector<16xf32>,
      tpu.vector_store %arg6[%swap3A_101, %swap3A_102, %swap3A_103], %broadcast_in_dim3A_3 {strides = array<i32>} : memref<1x112x224xf32, #tpu.memory_space<vmem>>, vector<16xf32>,
      %swap3A_105 = arith.constant 0 : i32
      %swap3A_106 = arith.index_cast %swap3A_105 : i32 to index
      %swap3A_107 = arith.index_cast %scan3A_39 : i32 to index
      %swap3A_108 = arith.constant 208 : index
      %swap3A_109 = tpu.vector_load %arg6[%swap3A_106, %swap3A_107, %swap3A_108] {strides = array<i32>} : memref<1x112x224xf32, #tpu.memory_space<vmem>>, vector<16xf32>,
      tpu.vector_store %arg6[%swap3A_106, %swap3A_107, %swap3A_108], %broadcast_in_dim3A_3 {strides = array<i32>} : memref<1x112x224xf32, #tpu.memory_space<vmem>>, vector<16xf32>,
      %swap3A_110 = arith.constant 0 : i32
      %swap3A_111 = arith.index_cast %swap3A_110 : i32 to index
      %swap3A_112 = arith.index_cast %scan3A_39 : i32 to index
      %swap3A_113 = arith.constant 0 : index
      %swap3A_114 = tpu.vector_load %arg7[%swap3A_111, %swap3A_112, %swap3A_113] {strides = array<i32>} : memref<1x112x224xf32, #tpu.memory_space<vmem>>, vector<16xf32>,
      tpu.vector_store %arg7[%swap3A_111, %swap3A_112, %swap3A_113], %broadcast_in_dim3A_3 {strides = array<i32>} : memref<1x112x224xf32, #tpu.memory_space<vmem>>, vector<16xf32>,
      %swap3A_115 = arith.constant 0 : i32
      %swap3A_116 = arith.index_cast %swap3A_115 : i32 to index
      %swap3A_117 = arith.index_cast %scan3A_39 : i32 to index
      %swap3A_118 = arith.constant 16 : index
      %swap3A_119 = tpu.vector_load %arg7[%swap3A_116, %swap3A_117, %swap3A_118] {strides = array<i32>} : memref<1x112x224xf32, #tpu.memory_space<vmem>>, vector<16xf32>,
      tpu.vector_store %arg7[%swap3A_116, %swap3A_117, %swap3A_118], %broadcast_in_dim3A_3 {strides = array<i32>} : memref<1x112x224xf32, #tpu.memory_space<vmem>>, vector<16xf32>,
      %swap3A_120 = arith.constant 0 : i32
      %swap3A_121 = arith.index_cast %swap3A_120 : i32 to index
      %swap3A_122 = arith.index_cast %scan3A_39 : i32 to index
      %swap3A_123 = arith.constant 32 : index
      %swap3A_124 = tpu.vector_load %arg7[%swap3A_121, %swap3A_122, %swap3A_123] {strides = array<i32>} : memref<1x112x224xf32, #tpu.memory_space<vmem>>, vector<16xf32>,
      tpu.vector_store %arg7[%swap3A_121, %swap3A_122, %swap3A_123], %broadcast_in_dim3A_3 {strides = array<i32>} : memref<1x112x224xf32, #tpu.memory_space<vmem>>, vector<16xf32>,
      %swap3A_125 = arith.constant 0 : i32
      %swap3A_126 = arith.index_cast %swap3A_125 : i32 to index
      %swap3A_127 = arith.index_cast %scan3A_39 : i32 to index
      %swap3A_128 = arith.constant 48 : index
      %swap3A_129 = tpu.vector_load %arg7[%swap3A_126, %swap3A_127, %swap3A_128] {strides = array<i32>} : memref<1x112x224xf32, #tpu.memory_space<vmem>>, vector<16xf32>,
      tpu.vector_store %arg7[%swap3A_126, %swap3A_127, %swap3A_128], %broadcast_in_dim3A_3 {strides = array<i32>} : memref<1x112x224xf32, #tpu.memory_space<vmem>>, vector<16xf32>,
      %swap3A_130 = arith.constant 0 : i32
      %swap3A_131 = arith.index_cast %swap3A_130 : i32 to index
      %swap3A_132 = arith.index_cast %scan3A_39 : i32 to index
      %swap3A_133 = arith.constant 64 : index
      %swap3A_134 = tpu.vector_load %arg7[%swap3A_131, %swap3A_132, %swap3A_133] {strides = array<i32>} : memref<1x112x224xf32, #tpu.memory_space<vmem>>, vector<16xf32>,
      tpu.vector_store %arg7[%swap3A_131, %swap3A_132, %swap3A_133], %broadcast_in_dim3A_3 {strides = array<i32>} : memref<1x112x224xf32, #tpu.memory_space<vmem>>, vector<16xf32>,
      %swap3A_135 = arith.constant 0 : i32
      %swap3A_136 = arith.index_cast %swap3A_135 : i32 to index
      %swap3A_137 = arith.index_cast %scan3A_39 : i32 to index
      %swap3A_138 = arith.constant 80 : index
      %swap3A_139 = tpu.vector_load %arg7[%swap3A_136, %swap3A_137, %swap3A_138] {strides = array<i32>} : memref<1x112x224xf32, #tpu.memory_space<vmem>>, vector<16xf32>,
      tpu.vector_store %arg7[%swap3A_136, %swap3A_137, %swap3A_138], %broadcast_in_dim3A_3 {strides = array<i32>} : memref<1x112x224xf32, #tpu.memory_space<vmem>>, vector<16xf32>,
      %swap3A_140 = arith.constant 0 : i32
      %swap3A_141 = arith.index_cast %swap3A_140 : i32 to index
      %swap3A_142 = arith.index_cast %scan3A_39 : i32 to index
      %swap3A_143 = arith.constant 96 : index
      %swap3A_144 = tpu.vector_load %arg7[%swap3A_141, %swap3A_142, %swap3A_143] {strides = array<i32>} : memref<1x112x224xf32, #tpu.memory_space<vmem>>, vector<16xf32>,
      tpu.vector_store %arg7[%swap3A_141, %swap3A_142, %swap3A_143], %broadcast_in_dim3A_3 {strides = array<i32>} : memref<1x112x224xf32, #tpu.memory_space<vmem>>, vector<16xf32>,
      %swap3A_145 = arith.constant 0 : i32
      %swap3A_146 = arith.index_cast %swap3A_145 : i32 to index
      %swap3A_147 = arith.index_cast %scan3A_39 : i32 to index
      %swap3A_148 = arith.constant 112 : index
      %swap3A_149 = tpu.vector_load %arg7[%swap3A_146, %swap3A_147, %swap3A_148] {strides = array<i32>} : memref<1x112x224xf32, #tpu.memory_space<vmem>>, vector<16xf32>,
      tpu.vector_store %arg7[%swap3A_146, %swap3A_147, %swap3A_148], %broadcast_in_dim3A_3 {strides = array<i32>} : memref<1x112x224xf32, #tpu.memory_space<vmem>>, vector<16xf32>,
      %swap3A_150 = arith.constant 0 : i32
      %swap3A_151 = arith.index_cast %swap3A_150 : i32 to index
      %swap3A_152 = arith.index_cast %scan3A_39 : i32 to index
      %swap3A_153 = arith.constant 128 : index
      %swap3A_154 = tpu.vector_load %arg7[%swap3A_151, %swap3A_152, %swap3A_153] {strides = array<i32>} : memref<1x112x224xf32, #tpu.memory_space<vmem>>, vector<16xf32>,
      tpu.vector_store %arg7[%swap3A_151, %swap3A_152, %swap3A_153], %broadcast_in_dim3A_3 {strides = array<i32>} : memref<1x112x224xf32, #tpu.memory_space<vmem>>, vector<16xf32>,
      %swap3A_155 = arith.constant 0 : i32
      %swap3A_156 = arith.index_cast %swap3A_155 : i32 to index
      %swap3A_157 = arith.index_cast %scan3A_39 : i32 to index
      %swap3A_158 = arith.constant 144 : index
      %swap3A_159 = tpu.vector_load %arg7[%swap3A_156, %swap3A_157, %swap3A_158] {strides = array<i32>} : memref<1x112x224xf32, #tpu.memory_space<vmem>>, vector<16xf32>,
      tpu.vector_store %arg7[%swap3A_156, %swap3A_157, %swap3A_158], %broadcast_in_dim3A_3 {strides = array<i32>} : memref<1x112x224xf32, #tpu.memory_space<vmem>>, vector<16xf32>,
      %swap3A_160 = arith.constant 0 : i32
      %swap3A_161 = arith.index_cast %swap3A_160 : i32 to index
      %swap3A_162 = arith.index_cast %scan3A_39 : i32 to index
      %swap3A_163 = arith.constant 160 : index
      %swap3A_164 = tpu.vector_load %arg7[%swap3A_161, %swap3A_162, %swap3A_163] {strides = array<i32>} : memref<1x112x224xf32, #tpu.memory_space<vmem>>, vector<16xf32>,
      tpu.vector_store %arg7[%swap3A_161, %swap3A_162, %swap3A_163], %broadcast_in_dim3A_3 {strides = array<i32>} : memref<1x112x224xf32, #tpu.memory_space<vmem>>, vector<16xf32>,
      %swap3A_165 = arith.constant 0 : i32
      %swap3A_166 = arith.index_cast %swap3A_165 : i32 to index
      %swap3A_167 = arith.index_cast %scan3A_39 : i32 to index
      %swap3A_168 = arith.constant 176 : index
      %swap3A_169 = tpu.vector_load %arg7[%swap3A_166, %swap3A_167, %swap3A_168] {strides = array<i32>} : memref<1x112x224xf32, #tpu.memory_space<vmem>>, vector<16xf32>,
      tpu.vector_store %arg7[%swap3A_166, %swap3A_167, %swap3A_168], %broadcast_in_dim3A_3 {strides = array<i32>} : memref<1x112x224xf32, #tpu.memory_space<vmem>>, vector<16xf32>,
      %swap3A_170 = arith.constant 0 : i32
      %swap3A_171 = arith.index_cast %swap3A_170 : i32 to index
      %swap3A_172 = arith.index_cast %scan3A_39 : i32 to index
      %swap3A_173 = arith.constant 192 : index
      %swap3A_174 = tpu.vector_load %arg7[%swap3A_171, %swap3A_172, %swap3A_173] {strides = array<i32>} : memref<1x112x224xf32, #tpu.memory_space<vmem>>, vector<16xf32>,
      tpu.vector_store %arg7[%swap3A_171, %swap3A_172, %swap3A_173], %broadcast_in_dim3A_3 {strides = array<i32>} : memref<1x112x224xf32, #tpu.memory_space<vmem>>, vector<16xf32>,
      %swap3A_175 = arith.constant 0 : i32
      %swap3A_176 = arith.index_cast %swap3A_175 : i32 to index
      %swap3A_177 = arith.index_cast %scan3A_39 : i32 to index
      %swap3A_178 = arith.constant 208 : index
      %swap3A_179 = tpu.vector_load %arg7[%swap3A_176, %swap3A_177, %swap3A_178] {strides = array<i32>} : memref<1x112x224xf32, #tpu.memory_space<vmem>>, vector<16xf32>,
      tpu.vector_store %arg7[%swap3A_176, %swap3A_177, %swap3A_178], %broadcast_in_dim3A_3 {strides = array<i32>} : memref<1x112x224xf32, #tpu.memory_space<vmem>>, vector<16xf32>,
      %scan3A_180 = arith.constant 0 : i32
      scf.yield %scan3A_180 : i32
    }
    %scan3A_9 = arith.constant 112 : i32
    %add3A_10 = arith.constant 0 : i32
    %add3A_11 = arith.addi %mul3A_2, %add3A_10 : i32
    %dma_start3A = arith.constant 0 : i32
    %dma_start3A_12 = arith.constant 0 : i32
    %dma_start3A_13 = tpu.memref_slice %arg2[%add3A_11, %dma_start3A, %dma_start3A_12] : memref<768x112x112xf32, #tpu.memory_space<hbm>> -> memref<1x56x112xf32, #tpu.memory_space<hbm>>
    %dma_start3A_14 = arith.constant 0 : i32
    %dma_start3A_15 = arith.constant 0 : i32
    %dma_start3A_16 = tpu.memref_slice %arg2[%add3A_11, %dma_start3A_14, %dma_start3A_15] : memref<768x112x112xf32, #tpu.memory_space<hbm>> -> memref<1x56x112xf32, #tpu.memory_space<hbm>>
    tpu.enqueue_dma source(%dma_start3A_16 : memref<1x56x112xf32, #tpu.memory_space<hbm>>) target(%arg4 : memref<1x56x112xf32, #tpu.memory_space<vmem>>) target_semaphore(%arg8 : memref<!tpu.dma_semaphore, #tpu.memory_space<semaphore_mem>>)
    %scan3A_17 = arith.constant 0 : i32
    %scan3A_18 = arith.constant 0 : i32
    %scan3A_19 = arith.constant 24 : i32
    %scan3A_20 = arith.addi %scan3A_18, %scan3A_19 : i32
    %scan3A_21 = arith.constant 1 : i32
    %scan3A_22 = scf.for %scan3A_39 = %scan3A_18 to %scan3A_20 step %scan3A_21 iter_args(%scan3A_40 = %scan3A_17) -> (i32)  : i32 {
      %mul3A_41 = arith.constant 2 : i32
      %mul3A_42 = arith.muli %scan3A_39, %mul3A_41 : i32
      %add3A_43 = arith.constant 0 : i32
      %add3A_44 = arith.addi %mul3A_42, %add3A_43 : i32
      %add3A_45 = arith.constant 1 : i32
      %add3A_46 = arith.addi %add3A_44, %add3A_45 : i32
      %lt3A = arith.constant 48 : i32
      %lt3A_47 = arith.cmpi slt, %add3A_46, %lt3A : i32
      %convert_element_type3A = arith.extui %lt3A_47 : i1 to i32
      %cond3A = arith.constant 0 : i32
      %cond3A_48 = arith.cmpi ne, %convert_element_type3A, %cond3A : i32
      scf.if %cond3A_48 {
        %jit3A_267 = arith.constant 2 : i32
        %div3A_268 = arith.divsi %add3A_46, %jit3A_267 : i32
        %sign3A_269 = arith.constant 0 : i32
        %sign3A_270 = arith.cmpi sgt, %add3A_46, %sign3A_269 : i32
        %sign3A_271 = arith.extui %sign3A_270 : i1 to i32
        %sign3A_272 = arith.constant 0 : i32
        %sign3A_273 = arith.cmpi slt, %add3A_46, %sign3A_272 : i32
        %sign3A_274 = arith.extui %sign3A_273 : i1 to i32
        %sign3A_275 = arith.subi %sign3A_271, %sign3A_274 : i32
        %sign3A_276 = arith.constant 0 : i32
        %sign3A_277 = arith.cmpi sgt, %jit3A_267, %sign3A_276 : i32
        %sign3A_278 = arith.extui %sign3A_277 : i1 to i32
        %sign3A_279 = arith.constant 0 : i32
        %sign3A_280 = arith.cmpi slt, %jit3A_267, %sign3A_279 : i32
        %sign3A_281 = arith.extui %sign3A_280 : i1 to i32
        %sign3A_282 = arith.subi %sign3A_278, %sign3A_281 : i32
        %ne3A_283 = arith.cmpi ne, %sign3A_275, %sign3A_282 : i32
        %rem3A_284 = arith.remsi %add3A_46, %jit3A_267 : i32
        %ne3A_285 = arith.constant 0 : i32
        %ne3A_286 = arith.cmpi ne, %rem3A_284, %ne3A_285 : i32
        %and3A_287 = arith.andi %ne3A_283, %ne3A_286 : i1
        %sub3A_288 = arith.constant 1 : i32
        %sub3A_289 = arith.subi %div3A_268, %sub3A_288 : i32
        %select_n3A_290 = arith.select %and3A_287, %sub3A_289, %div3A_268 : i32
        %add3A_291 = arith.addi %mul3A_2, %select_n3A_290 : i32
        %jit3A_292 = arith.constant 2 : i32
        %eq3A_293 = arith.constant 0 : i32
        %eq3A_294 = arith.cmpi eq, %jit3A_292, %eq3A_293 : i32
        %jit3A_295 = arith.constant 1 : i32
        %select_n3A_296 = arith.select %eq3A_294, %jit3A_295, %jit3A_292 : i32
        %rem3A_297 = arith.remsi %add3A_46, %select_n3A_296 : i32
        %ne3A_298 = arith.constant 0 : i32
        %ne3A_299 = arith.cmpi ne, %rem3A_297, %ne3A_298 : i32
        %lt3A_300 = arith.constant 0 : i32
        %lt3A_301 = arith.cmpi slt, %rem3A_297, %lt3A_300 : i32
        %lt3A_302 = arith.constant 0 : i32
        %lt3A_303 = arith.cmpi slt, %select_n3A_296, %lt3A_302 : i32
        %ne3A_304 = arith.xori %lt3A_301, %lt3A_303 : i1
        %and3A_305 = arith.andi %ne3A_304, %ne3A_299 : i1
        %add3A_306 = arith.addi %rem3A_297, %select_n3A_296 : i32
        %select_n3A_307 = arith.select %and3A_305, %add3A_306, %rem3A_297 : i32
        %mul3A_308 = arith.constant 56 : i32
        %mul3A_309 = arith.muli %select_n3A_307, %mul3A_308 : i32
        %dma_start3A_310 = arith.constant 0 : i32
        %dma_start3A_311 = tpu.memref_slice %arg2[%add3A_291, %mul3A_309, %dma_start3A_310] : memref<768x112x112xf32, #tpu.memory_space<hbm>> -> memref<1x56x112xf32, #tpu.memory_space<hbm>>
        %dma_start3A_312 = arith.constant 0 : i32
        %dma_start3A_313 = tpu.memref_slice %arg2[%add3A_291, %mul3A_309, %dma_start3A_312] : memref<768x112x112xf32, #tpu.memory_space<hbm>> -> memref<1x56x112xf32, #tpu.memory_space<hbm>>
        tpu.enqueue_dma source(%dma_start3A_313 : memref<1x56x112xf32, #tpu.memory_space<hbm>>) target(%arg5 : memref<1x56x112xf32, #tpu.memory_space<vmem>>) target_semaphore(%arg9 : memref<!tpu.dma_semaphore, #tpu.memory_space<semaphore_mem>>)
      } else {
      }
      %jit3A = arith.constant 2 : i32
      %div3A = arith.divsi %add3A_44, %jit3A : i32
      %sign3A = arith.constant 0 : i32
      %sign3A_49 = arith.cmpi sgt, %add3A_44, %sign3A : i32
      %sign3A_50 = arith.extui %sign3A_49 : i1 to i32
      %sign3A_51 = arith.constant 0 : i32
      %sign3A_52 = arith.cmpi slt, %add3A_44, %sign3A_51 : i32
      %sign3A_53 = arith.extui %sign3A_52 : i1 to i32
      %sign3A_54 = arith.subi %sign3A_50, %sign3A_53 : i32
      %sign3A_55 = arith.constant 0 : i32
      %sign3A_56 = arith.cmpi sgt, %jit3A, %sign3A_55 : i32
      %sign3A_57 = arith.extui %sign3A_56 : i1 to i32
      %sign3A_58 = arith.constant 0 : i32
      %sign3A_59 = arith.cmpi slt, %jit3A, %sign3A_58 : i32
      %sign3A_60 = arith.extui %sign3A_59 : i1 to i32
      %sign3A_61 = arith.subi %sign3A_57, %sign3A_60 : i32
      %ne3A = arith.cmpi ne, %sign3A_54, %sign3A_61 : i32
      %rem3A = arith.remsi %add3A_44, %jit3A : i32
      %ne3A_62 = arith.constant 0 : i32
      %ne3A_63 = arith.cmpi ne, %rem3A, %ne3A_62 : i32
      %and3A = arith.andi %ne3A, %ne3A_63 : i1
      %sub3A = arith.constant 1 : i32
      %sub3A_64 = arith.subi %div3A, %sub3A : i32
      %select_n3A = arith.select %and3A, %sub3A_64, %div3A : i32
      %add3A_65 = arith.addi %mul3A_2, %select_n3A : i32
      %jit3A_66 = arith.constant 2 : i32
      %eq3A = arith.constant 0 : i32
      %eq3A_67 = arith.cmpi eq, %jit3A_66, %eq3A : i32
      %jit3A_68 = arith.constant 1 : i32
      %select_n3A_69 = arith.select %eq3A_67, %jit3A_68, %jit3A_66 : i32
      %rem3A_70 = arith.remsi %add3A_44, %select_n3A_69 : i32
      %ne3A_71 = arith.constant 0 : i32
      %ne3A_72 = arith.cmpi ne, %rem3A_70, %ne3A_71 : i32
      %lt3A_73 = arith.constant 0 : i32
      %lt3A_74 = arith.cmpi slt, %rem3A_70, %lt3A_73 : i32
      %lt3A_75 = arith.constant 0 : i32
      %lt3A_76 = arith.cmpi slt, %select_n3A_69, %lt3A_75 : i32
      %ne3A_77 = arith.xori %lt3A_74, %lt3A_76 : i1
      %and3A_78 = arith.andi %ne3A_77, %ne3A_72 : i1
      %add3A_79 = arith.addi %rem3A_70, %select_n3A_69 : i32
      %select_n3A_80 = arith.select %and3A_78, %add3A_79, %rem3A_70 : i32
      %mul3A_81 = arith.constant 56 : i32
      %mul3A_82 = arith.muli %select_n3A_80, %mul3A_81 : i32
      %dma_wait3A_83 = arith.constant 0 : i32
      %dma_wait3A_84 = tpu.memref_slice %arg2[%add3A_65, %mul3A_82, %dma_wait3A_83] : memref<768x112x112xf32, #tpu.memory_space<hbm>> -> memref<1x56x112xf32, #tpu.memory_space<hbm>>
      %dma_wait3A_85 = arith.constant 0 : i32
      %dma_wait3A_86 = tpu.memref_slice %arg2[%add3A_65, %mul3A_82, %dma_wait3A_85] : memref<768x112x112xf32, #tpu.memory_space<hbm>> -> memref<1x56x112xf32, #tpu.memory_space<hbm>>
      tpu.wait_dma2 semaphore(%arg8 : memref<!tpu.dma_semaphore, #tpu.memory_space<semaphore_mem>>) src(%dma_wait3A_86 : memref<1x56x112xf32, #tpu.memory_space<hbm>>) dst(%arg4 : memref<1x56x112xf32, #tpu.memory_space<vmem>>)
      %ge3A = arith.constant 2 : i32
      %ge3A_87 = arith.cmpi sge, %add3A_44, %ge3A : i32
      %convert_element_type3A_88 = arith.extui %ge3A_87 : i1 to i32
      %cond3A_89 = arith.constant 0 : i32
      %cond3A_90 = arith.cmpi ne, %convert_element_type3A_88, %cond3A_89 : i32
      scf.if %cond3A_90 {
        %jit3A_267 = arith.constant 2 : i32
        %div3A_268 = arith.divsi %add3A_44, %jit3A_267 : i32
        %sign3A_269 = arith.constant 0 : i32
        %sign3A_270 = arith.cmpi sgt, %add3A_44, %sign3A_269 : i32
        %sign3A_271 = arith.extui %sign3A_270 : i1 to i32
        %sign3A_272 = arith.constant 0 : i32
        %sign3A_273 = arith.cmpi slt, %add3A_44, %sign3A_272 : i32
        %sign3A_274 = arith.extui %sign3A_273 : i1 to i32
        %sign3A_275 = arith.subi %sign3A_271, %sign3A_274 : i32
        %sign3A_276 = arith.constant 0 : i32
        %sign3A_277 = arith.cmpi sgt, %jit3A_267, %sign3A_276 : i32
        %sign3A_278 = arith.extui %sign3A_277 : i1 to i32
        %sign3A_279 = arith.constant 0 : i32
        %sign3A_280 = arith.cmpi slt, %jit3A_267, %sign3A_279 : i32
        %sign3A_281 = arith.extui %sign3A_280 : i1 to i32
        %sign3A_282 = arith.subi %sign3A_278, %sign3A_281 : i32
        %ne3A_283 = arith.cmpi ne, %sign3A_275, %sign3A_282 : i32
        %rem3A_284 = arith.remsi %add3A_44, %jit3A_267 : i32
        %ne3A_285 = arith.constant 0 : i32
        %ne3A_286 = arith.cmpi ne, %rem3A_284, %ne3A_285 : i32
        %and3A_287 = arith.andi %ne3A_283, %ne3A_286 : i1
        %sub3A_288 = arith.constant 1 : i32
        %sub3A_289 = arith.subi %div3A_268, %sub3A_288 : i32
        %select_n3A_290 = arith.select %and3A_287, %sub3A_289, %div3A_268 : i32
        %add3A_291 = arith.addi %mul3A_2, %select_n3A_290 : i32
        %jit3A_292 = arith.constant 2 : i32
        %eq3A_293 = arith.constant 0 : i32
        %eq3A_294 = arith.cmpi eq, %jit3A_292, %eq3A_293 : i32
        %jit3A_295 = arith.constant 1 : i32
        %select_n3A_296 = arith.select %eq3A_294, %jit3A_295, %jit3A_292 : i32
        %rem3A_297 = arith.remsi %add3A_44, %select_n3A_296 : i32
        %ne3A_298 = arith.constant 0 : i32
        %ne3A_299 = arith.cmpi ne, %rem3A_297, %ne3A_298 : i32
        %lt3A_300 = arith.constant 0 : i32
        %lt3A_301 = arith.cmpi slt, %rem3A_297, %lt3A_300 : i32
        %lt3A_302 = arith.constant 0 : i32
        %lt3A_303 = arith.cmpi slt, %select_n3A_296, %lt3A_302 : i32
        %ne3A_304 = arith.xori %lt3A_301, %lt3A_303 : i1
        %and3A_305 = arith.andi %ne3A_304, %ne3A_299 : i1
        %add3A_306 = arith.addi %rem3A_297, %select_n3A_296 : i32
        %select_n3A_307 = arith.select %and3A_305, %add3A_306, %rem3A_297 : i32
        %mul3A_308 = arith.constant 2 : i32
        %mul3A_309 = arith.muli %select_n3A_307, %mul3A_308 : i32
        %mul3A_310 = arith.constant 56 : i32
        %mul3A_311 = arith.muli %mul3A_309, %mul3A_310 : i32
        %dma_wait3A_312 = arith.constant 0 : i32
        %dma_wait3A_313 = tpu.memref_slice %arg3[%add3A_291, %mul3A_311, %dma_wait3A_312] : memref<768x224x224xf32, #tpu.memory_space<hbm>> -> memref<1x112x224xf32, #tpu.memory_space<hbm>>
        %dma_wait3A_314 = arith.constant 0 : i32
        %dma_wait3A_315 = tpu.memref_slice %arg3[%add3A_291, %mul3A_311, %dma_wait3A_314] : memref<768x224x224xf32, #tpu.memory_space<hbm>> -> memref<1x112x224xf32, #tpu.memory_space<hbm>>
        tpu.wait_dma2 semaphore(%arg10 : memref<!tpu.dma_semaphore, #tpu.memory_space<semaphore_mem>>) src(%arg6 : memref<1x112x224xf32, #tpu.memory_space<vmem>>) dst(%dma_wait3A_315 : memref<1x112x224xf32, #tpu.memory_space<hbm>>)
      } else {
      }
      %scan3A_91 = arith.constant 0 : i32
      %scan3A_92 = arith.constant 0 : i32
      %scan3A_93 = arith.constant 28 : i32
      %scan3A_94 = arith.addi %scan3A_92, %scan3A_93 : i32
      %scan3A_95 = arith.constant 1 : i32
      %scan3A_96 = scf.for %scan3A_267 = %scan3A_92 to %scan3A_94 step %scan3A_95 iter_args(%scan3A_268 = %scan3A_91) -> (i32)  : i32 {
        %mul3A_269 = arith.constant 0 : i32
        %mul3A_270 = vector.broadcast %mul3A_269 : i32 to vector<16xi32>
        %mul3A_271 = arith.muli %iota3A, %mul3A_270 : vector<16xi32>
        %mul3A_272 = arith.constant 2 : i32
        %mul3A_273 = arith.muli %scan3A_267, %mul3A_272 : i32
        %add3A_274 = arith.constant 0 : i32
        %add3A_275 = arith.addi %mul3A_273, %add3A_274 : i32
        %mul3A_276 = arith.constant 2 : i32
        %mul3A_277 = arith.muli %mul3A_276, %add3A_275 : i32
        %add3A_278 = arith.constant 1 : i32
        %add3A_279 = arith.addi %mul3A_277, %add3A_278 : i32
        %add3A_280 = vector.broadcast %add3A_279 : i32 to vector<16xi32>
        %add3A_281 = arith.addi %mul3A_271, %add3A_280 : vector<16xi32>
        %get3A = arith.constant 0 : i32
        %get3A_282 = arith.index_cast %get3A : i32 to index
        %get3A_283 = arith.index_cast %add3A_275 : i32 to index
        %get3A_284 = arith.constant 0 : index
        %get3A_285 = tpu.vector_load %arg4[%get3A_282, %get3A_283, %get3A_284] {strides = array<i32>} : memref<1x56x112xf32, #tpu.memory_space<vmem>>, vector<16xf32>,
        %mul3A_286 = arith.constant 2 : i32
        %mul3A_287 = vector.broadcast %mul3A_286 : i32 to vector<16xi32>
        %mul3A_288 = arith.muli %mul3A_287, %iota3A : vector<16xi32>
        %add3A_289 = arith.constant 1 : i32
        %add3A_290 = vector.broadcast %add3A_289 : i32 to vector<16xi32>
        %add3A_291 = arith.addi %add3A_290, %mul3A_288 : vector<16xi32>
        tpu.vector_store_idx %arg6[%mul3A_271, %add3A_281, %add3A_291], %get3A_285 : memref<1x112x224xf32, #tpu.memory_space<vmem>>[vector<16xi32>, vector<16xi32>, vector<16xi32>], vector<16xf32>,
        %get3A_292 = arith.constant 0 : i32
        %get3A_293 = arith.index_cast %get3A_292 : i32 to index
        %get3A_294 = arith.index_cast %add3A_275 : i32 to index
        %get3A_295 = arith.constant 16 : index
        %get3A_296 = tpu.vector_load %arg4[%get3A_293, %get3A_294, %get3A_295] {strides = array<i32>} : memref<1x56x112xf32, #tpu.memory_space<vmem>>, vector<16xf32>,
        %mul3A_297 = arith.constant 2 : i32
        %mul3A_298 = vector.broadcast %mul3A_297 : i32 to vector<16xi32>
        %mul3A_299 = arith.muli %mul3A_298, %iota3A : vector<16xi32>
        %add3A_300 = arith.constant 33 : i32
        %add3A_301 = vector.broadcast %add3A_300 : i32 to vector<16xi32>
        %add3A_302 = arith.addi %add3A_301, %mul3A_299 : vector<16xi32>
        tpu.vector_store_idx %arg6[%mul3A_271, %add3A_281, %add3A_302], %get3A_296 : memref<1x112x224xf32, #tpu.memory_space<vmem>>[vector<16xi32>, vector<16xi32>, vector<16xi32>], vector<16xf32>,
        %get3A_303 = arith.constant 0 : i32
        %get3A_304 = arith.index_cast %get3A_303 : i32 to index
        %get3A_305 = arith.index_cast %add3A_275 : i32 to index
        %get3A_306 = arith.constant 32 : index
        %get3A_307 = tpu.vector_load %arg4[%get3A_304, %get3A_305, %get3A_306] {strides = array<i32>} : memref<1x56x112xf32, #tpu.memory_space<vmem>>, vector<16xf32>,
        %mul3A_308 = arith.constant 2 : i32
        %mul3A_309 = vector.broadcast %mul3A_308 : i32 to vector<16xi32>
        %mul3A_310 = arith.muli %mul3A_309, %iota3A : vector<16xi32>
        %add3A_311 = arith.constant 65 : i32
        %add3A_312 = vector.broadcast %add3A_311 : i32 to vector<16xi32>
        %add3A_313 = arith.addi %add3A_312, %mul3A_310 : vector<16xi32>
        tpu.vector_store_idx %arg6[%mul3A_271, %add3A_281, %add3A_313], %get3A_307 : memref<1x112x224xf32, #tpu.memory_space<vmem>>[vector<16xi32>, vector<16xi32>, vector<16xi32>], vector<16xf32>,
        %get3A_314 = arith.constant 0 : i32
        %get3A_315 = arith.index_cast %get3A_314 : i32 to index
        %get3A_316 = arith.index_cast %add3A_275 : i32 to index
        %get3A_317 = arith.constant 48 : index
        %get3A_318 = tpu.vector_load %arg4[%get3A_315, %get3A_316, %get3A_317] {strides = array<i32>} : memref<1x56x112xf32, #tpu.memory_space<vmem>>, vector<16xf32>,
        %mul3A_319 = arith.constant 2 : i32
        %mul3A_320 = vector.broadcast %mul3A_319 : i32 to vector<16xi32>
        %mul3A_321 = arith.muli %mul3A_320, %iota3A : vector<16xi32>
        %add3A_322 = arith.constant 97 : i32
        %add3A_323 = vector.broadcast %add3A_322 : i32 to vector<16xi32>
        %add3A_324 = arith.addi %add3A_323, %mul3A_321 : vector<16xi32>
        tpu.vector_store_idx %arg6[%mul3A_271, %add3A_281, %add3A_324], %get3A_318 : memref<1x112x224xf32, #tpu.memory_space<vmem>>[vector<16xi32>, vector<16xi32>, vector<16xi32>], vector<16xf32>,
        %get3A_325 = arith.constant 0 : i32
        %get3A_326 = arith.index_cast %get3A_325 : i32 to index
        %get3A_327 = arith.index_cast %add3A_275 : i32 to index
        %get3A_328 = arith.constant 64 : index
        %get3A_329 = tpu.vector_load %arg4[%get3A_326, %get3A_327, %get3A_328] {strides = array<i32>} : memref<1x56x112xf32, #tpu.memory_space<vmem>>, vector<16xf32>,
        %mul3A_330 = arith.constant 2 : i32
        %mul3A_331 = vector.broadcast %mul3A_330 : i32 to vector<16xi32>
        %mul3A_332 = arith.muli %mul3A_331, %iota3A : vector<16xi32>
        %add3A_333 = arith.constant 129 : i32
        %add3A_334 = vector.broadcast %add3A_333 : i32 to vector<16xi32>
        %add3A_335 = arith.addi %add3A_334, %mul3A_332 : vector<16xi32>
        tpu.vector_store_idx %arg6[%mul3A_271, %add3A_281, %add3A_335], %get3A_329 : memref<1x112x224xf32, #tpu.memory_space<vmem>>[vector<16xi32>, vector<16xi32>, vector<16xi32>], vector<16xf32>,
        %get3A_336 = arith.constant 0 : i32
        %get3A_337 = arith.index_cast %get3A_336 : i32 to index
        %get3A_338 = arith.index_cast %add3A_275 : i32 to index
        %get3A_339 = arith.constant 80 : index
        %get3A_340 = tpu.vector_load %arg4[%get3A_337, %get3A_338, %get3A_339] {strides = array<i32>} : memref<1x56x112xf32, #tpu.memory_space<vmem>>, vector<16xf32>,
        %mul3A_341 = arith.constant 2 : i32
        %mul3A_342 = vector.broadcast %mul3A_341 : i32 to vector<16xi32>
        %mul3A_343 = arith.muli %mul3A_342, %iota3A : vector<16xi32>
        %add3A_344 = arith.constant 161 : i32
        %add3A_345 = vector.broadcast %add3A_344 : i32 to vector<16xi32>
        %add3A_346 = arith.addi %add3A_345, %mul3A_343 : vector<16xi32>
        tpu.vector_store_idx %arg6[%mul3A_271, %add3A_281, %add3A_346], %get3A_340 : memref<1x112x224xf32, #tpu.memory_space<vmem>>[vector<16xi32>, vector<16xi32>, vector<16xi32>], vector<16xf32>,
        %get3A_347 = arith.constant 0 : i32
        %get3A_348 = arith.index_cast %get3A_347 : i32 to index
        %get3A_349 = arith.index_cast %add3A_275 : i32 to index
        %get3A_350 = arith.constant 96 : index
        %get3A_351 = tpu.vector_load %arg4[%get3A_348, %get3A_349, %get3A_350] {strides = array<i32>} : memref<1x56x112xf32, #tpu.memory_space<vmem>>, vector<16xf32>,
        %mul3A_352 = arith.constant 2 : i32
        %mul3A_353 = vector.broadcast %mul3A_352 : i32 to vector<16xi32>
        %mul3A_354 = arith.muli %mul3A_353, %iota3A : vector<16xi32>
        %add3A_355 = arith.constant 193 : i32
        %add3A_356 = vector.broadcast %add3A_355 : i32 to vector<16xi32>
        %add3A_357 = arith.addi %add3A_356, %mul3A_354 : vector<16xi32>
        tpu.vector_store_idx %arg6[%mul3A_271, %add3A_281, %add3A_357], %get3A_351 : memref<1x112x224xf32, #tpu.memory_space<vmem>>[vector<16xi32>, vector<16xi32>, vector<16xi32>], vector<16xf32>,
        %mul3A_358 = arith.constant 2 : i32
        %mul3A_359 = arith.muli %scan3A_267, %mul3A_358 : i32
        %add3A_360 = arith.constant 1 : i32
        %add3A_361 = arith.addi %mul3A_359, %add3A_360 : i32
        %mul3A_362 = arith.constant 2 : i32
        %mul3A_363 = arith.muli %mul3A_362, %add3A_361 : i32
        %add3A_364 = arith.constant 1 : i32
        %add3A_365 = arith.addi %mul3A_363, %add3A_364 : i32
        %add3A_366 = vector.broadcast %add3A_365 : i32 to vector<16xi32>
        %add3A_367 = arith.addi %mul3A_271, %add3A_366 : vector<16xi32>
        %get3A_368 = arith.constant 0 : i32
        %get3A_369 = arith.index_cast %get3A_368 : i32 to index
        %get3A_370 = arith.index_cast %add3A_361 : i32 to index
        %get3A_371 = arith.constant 0 : index
        %get3A_372 = tpu.vector_load %arg4[%get3A_369, %get3A_370, %get3A_371] {strides = array<i32>} : memref<1x56x112xf32, #tpu.memory_space<vmem>>, vector<16xf32>,
        %mul3A_373 = arith.constant 2 : i32
        %mul3A_374 = vector.broadcast %mul3A_373 : i32 to vector<16xi32>
        %mul3A_375 = arith.muli %mul3A_374, %iota3A : vector<16xi32>
        %add3A_376 = arith.constant 1 : i32
        %add3A_377 = vector.broadcast %add3A_376 : i32 to vector<16xi32>
        %add3A_378 = arith.addi %add3A_377, %mul3A_375 : vector<16xi32>
        tpu.vector_store_idx %arg6[%mul3A_271, %add3A_367, %add3A_378], %get3A_372 : memref<1x112x224xf32, #tpu.memory_space<vmem>>[vector<16xi32>, vector<16xi32>, vector<16xi32>], vector<16xf32>,
        %get3A_379 = arith.constant 0 : i32
        %get3A_380 = arith.index_cast %get3A_379 : i32 to index
        %get3A_381 = arith.index_cast %add3A_361 : i32 to index
        %get3A_382 = arith.constant 16 : index
        %get3A_383 = tpu.vector_load %arg4[%get3A_380, %get3A_381, %get3A_382] {strides = array<i32>} : memref<1x56x112xf32, #tpu.memory_space<vmem>>, vector<16xf32>,
        %mul3A_384 = arith.constant 2 : i32
        %mul3A_385 = vector.broadcast %mul3A_384 : i32 to vector<16xi32>
        %mul3A_386 = arith.muli %mul3A_385, %iota3A : vector<16xi32>
        %add3A_387 = arith.constant 33 : i32
        %add3A_388 = vector.broadcast %add3A_387 : i32 to vector<16xi32>
        %add3A_389 = arith.addi %add3A_388, %mul3A_386 : vector<16xi32>
        tpu.vector_store_idx %arg6[%mul3A_271, %add3A_367, %add3A_389], %get3A_383 : memref<1x112x224xf32, #tpu.memory_space<vmem>>[vector<16xi32>, vector<16xi32>, vector<16xi32>], vector<16xf32>,
        %get3A_390 = arith.constant 0 : i32
        %get3A_391 = arith.index_cast %get3A_390 : i32 to index
        %get3A_392 = arith.index_cast %add3A_361 : i32 to index
        %get3A_393 = arith.constant 32 : index
        %get3A_394 = tpu.vector_load %arg4[%get3A_391, %get3A_392, %get3A_393] {strides = array<i32>} : memref<1x56x112xf32, #tpu.memory_space<vmem>>, vector<16xf32>,
        %mul3A_395 = arith.constant 2 : i32
        %mul3A_396 = vector.broadcast %mul3A_395 : i32 to vector<16xi32>
        %mul3A_397 = arith.muli %mul3A_396, %iota3A : vector<16xi32>
        %add3A_398 = arith.constant 65 : i32
        %add3A_399 = vector.broadcast %add3A_398 : i32 to vector<16xi32>
        %add3A_400 = arith.addi %add3A_399, %mul3A_397 : vector<16xi32>
        tpu.vector_store_idx %arg6[%mul3A_271, %add3A_367, %add3A_400], %get3A_394 : memref<1x112x224xf32, #tpu.memory_space<vmem>>[vector<16xi32>, vector<16xi32>, vector<16xi32>], vector<16xf32>,
        %get3A_401 = arith.constant 0 : i32
        %get3A_402 = arith.index_cast %get3A_401 : i32 to index
        %get3A_403 = arith.index_cast %add3A_361 : i32 to index
        %get3A_404 = arith.constant 48 : index
        %get3A_405 = tpu.vector_load %arg4[%get3A_402, %get3A_403, %get3A_404] {strides = array<i32>} : memref<1x56x112xf32, #tpu.memory_space<vmem>>, vector<16xf32>,
        %mul3A_406 = arith.constant 2 : i32
        %mul3A_407 = vector.broadcast %mul3A_406 : i32 to vector<16xi32>
        %mul3A_408 = arith.muli %mul3A_407, %iota3A : vector<16xi32>
        %add3A_409 = arith.constant 97 : i32
        %add3A_410 = vector.broadcast %add3A_409 : i32 to vector<16xi32>
        %add3A_411 = arith.addi %add3A_410, %mul3A_408 : vector<16xi32>
        tpu.vector_store_idx %arg6[%mul3A_271, %add3A_367, %add3A_411], %get3A_405 : memref<1x112x224xf32, #tpu.memory_space<vmem>>[vector<16xi32>, vector<16xi32>, vector<16xi32>], vector<16xf32>,
        %get3A_412 = arith.constant 0 : i32
        %get3A_413 = arith.index_cast %get3A_412 : i32 to index
        %get3A_414 = arith.index_cast %add3A_361 : i32 to index
        %get3A_415 = arith.constant 64 : index
        %get3A_416 = tpu.vector_load %arg4[%get3A_413, %get3A_414, %get3A_415] {strides = array<i32>} : memref<1x56x112xf32, #tpu.memory_space<vmem>>, vector<16xf32>,
        %mul3A_417 = arith.constant 2 : i32
        %mul3A_418 = vector.broadcast %mul3A_417 : i32 to vector<16xi32>
        %mul3A_419 = arith.muli %mul3A_418, %iota3A : vector<16xi32>
        %add3A_420 = arith.constant 129 : i32
        %add3A_421 = vector.broadcast %add3A_420 : i32 to vector<16xi32>
        %add3A_422 = arith.addi %add3A_421, %mul3A_419 : vector<16xi32>
        tpu.vector_store_idx %arg6[%mul3A_271, %add3A_367, %add3A_422], %get3A_416 : memref<1x112x224xf32, #tpu.memory_space<vmem>>[vector<16xi32>, vector<16xi32>, vector<16xi32>], vector<16xf32>,
        %get3A_423 = arith.constant 0 : i32
        %get3A_424 = arith.index_cast %get3A_423 : i32 to index
        %get3A_425 = arith.index_cast %add3A_361 : i32 to index
        %get3A_426 = arith.constant 80 : index
        %get3A_427 = tpu.vector_load %arg4[%get3A_424, %get3A_425, %get3A_426] {strides = array<i32>} : memref<1x56x112xf32, #tpu.memory_space<vmem>>, vector<16xf32>,
        %mul3A_428 = arith.constant 2 : i32
        %mul3A_429 = vector.broadcast %mul3A_428 : i32 to vector<16xi32>
        %mul3A_430 = arith.muli %mul3A_429, %iota3A : vector<16xi32>
        %add3A_431 = arith.constant 161 : i32
        %add3A_432 = vector.broadcast %add3A_431 : i32 to vector<16xi32>
        %add3A_433 = arith.addi %add3A_432, %mul3A_430 : vector<16xi32>
        tpu.vector_store_idx %arg6[%mul3A_271, %add3A_367, %add3A_433], %get3A_427 : memref<1x112x224xf32, #tpu.memory_space<vmem>>[vector<16xi32>, vector<16xi32>, vector<16xi32>], vector<16xf32>,
        %get3A_434 = arith.constant 0 : i32
        %get3A_435 = arith.index_cast %get3A_434 : i32 to index
        %get3A_436 = arith.index_cast %add3A_361 : i32 to index
        %get3A_437 = arith.constant 96 : index
        %get3A_438 = tpu.vector_load %arg4[%get3A_435, %get3A_436, %get3A_437] {strides = array<i32>} : memref<1x56x112xf32, #tpu.memory_space<vmem>>, vector<16xf32>,
        %mul3A_439 = arith.constant 2 : i32
        %mul3A_440 = vector.broadcast %mul3A_439 : i32 to vector<16xi32>
        %mul3A_441 = arith.muli %mul3A_440, %iota3A : vector<16xi32>
        %add3A_442 = arith.constant 193 : i32
        %add3A_443 = vector.broadcast %add3A_442 : i32 to vector<16xi32>
        %add3A_444 = arith.addi %add3A_443, %mul3A_441 : vector<16xi32>
        tpu.vector_store_idx %arg6[%mul3A_271, %add3A_367, %add3A_444], %get3A_438 : memref<1x112x224xf32, #tpu.memory_space<vmem>>[vector<16xi32>, vector<16xi32>, vector<16xi32>], vector<16xf32>,
        %scan3A_445 = arith.constant 0 : i32
        scf.yield %scan3A_445 : i32
      }
      %scan3A_97 = arith.constant 28 : i32
      %jit3A_98 = arith.constant 2 : i32
      %div3A_99 = arith.divsi %add3A_44, %jit3A_98 : i32
      %sign3A_100 = arith.constant 0 : i32
      %sign3A_101 = arith.cmpi sgt, %add3A_44, %sign3A_100 : i32
      %sign3A_102 = arith.extui %sign3A_101 : i1 to i32
      %sign3A_103 = arith.constant 0 : i32
      %sign3A_104 = arith.cmpi slt, %add3A_44, %sign3A_103 : i32
      %sign3A_105 = arith.extui %sign3A_104 : i1 to i32
      %sign3A_106 = arith.subi %sign3A_102, %sign3A_105 : i32
      %sign3A_107 = arith.constant 0 : i32
      %sign3A_108 = arith.cmpi sgt, %jit3A_98, %sign3A_107 : i32
      %sign3A_109 = arith.extui %sign3A_108 : i1 to i32
      %sign3A_110 = arith.constant 0 : i32
      %sign3A_111 = arith.cmpi slt, %jit3A_98, %sign3A_110 : i32
      %sign3A_112 = arith.extui %sign3A_111 : i1 to i32
      %sign3A_113 = arith.subi %sign3A_109, %sign3A_112 : i32
      %ne3A_114 = arith.cmpi ne, %sign3A_106, %sign3A_113 : i32
      %rem3A_115 = arith.remsi %add3A_44, %jit3A_98 : i32
      %ne3A_116 = arith.constant 0 : i32
      %ne3A_117 = arith.cmpi ne, %rem3A_115, %ne3A_116 : i32
      %and3A_118 = arith.andi %ne3A_114, %ne3A_117 : i1
      %sub3A_119 = arith.constant 1 : i32
      %sub3A_120 = arith.subi %div3A_99, %sub3A_119 : i32
      %select_n3A_121 = arith.select %and3A_118, %sub3A_120, %div3A_99 : i32
      %add3A_122 = arith.addi %mul3A_2, %select_n3A_121 : i32
      %jit3A_123 = arith.constant 2 : i32
      %eq3A_124 = arith.constant 0 : i32
      %eq3A_125 = arith.cmpi eq, %jit3A_123, %eq3A_124 : i32
      %jit3A_126 = arith.constant 1 : i32
      %select_n3A_127 = arith.select %eq3A_125, %jit3A_126, %jit3A_123 : i32
      %rem3A_128 = arith.remsi %add3A_44, %select_n3A_127 : i32
      %ne3A_129 = arith.constant 0 : i32
      %ne3A_130 = arith.cmpi ne, %rem3A_128, %ne3A_129 : i32
      %lt3A_131 = arith.constant 0 : i32
      %lt3A_132 = arith.cmpi slt, %rem3A_128, %lt3A_131 : i32
      %lt3A_133 = arith.constant 0 : i32
      %lt3A_134 = arith.cmpi slt, %select_n3A_127, %lt3A_133 : i32
      %ne3A_135 = arith.xori %lt3A_132, %lt3A_134 : i1
      %and3A_136 = arith.andi %ne3A_135, %ne3A_130 : i1
      %add3A_137 = arith.addi %rem3A_128, %select_n3A_127 : i32
      %select_n3A_138 = arith.select %and3A_136, %add3A_137, %rem3A_128 : i32
      %mul3A_139 = arith.constant 2 : i32
      %mul3A_140 = arith.muli %select_n3A_138, %mul3A_139 : i32
      %mul3A_141 = arith.constant 56 : i32
      %mul3A_142 = arith.muli %mul3A_140, %mul3A_141 : i32
      %dma_start3A_143 = arith.constant 0 : i32
      %dma_start3A_144 = tpu.memref_slice %arg3[%add3A_122, %mul3A_142, %dma_start3A_143] : memref<768x224x224xf32, #tpu.memory_space<hbm>> -> memref<1x112x224xf32, #tpu.memory_space<hbm>>
      %dma_start3A_145 = arith.constant 0 : i32
      %dma_start3A_146 = tpu.memref_slice %arg3[%add3A_122, %mul3A_142, %dma_start3A_145] : memref<768x224x224xf32, #tpu.memory_space<hbm>> -> memref<1x112x224xf32, #tpu.memory_space<hbm>>
      tpu.enqueue_dma source(%arg6 : memref<1x112x224xf32, #tpu.memory_space<vmem>>) target(%dma_start3A_146 : memref<1x112x224xf32, #tpu.memory_space<hbm>>) target_semaphore(%arg10 : memref<!tpu.dma_semaphore, #tpu.memory_space<semaphore_mem>>)
      %mul3A_147 = arith.constant 2 : i32
      %mul3A_148 = arith.muli %scan3A_39, %mul3A_147 : i32
      %add3A_149 = arith.constant 1 : i32
      %add3A_150 = arith.addi %mul3A_148, %add3A_149 : i32
      %add3A_151 = arith.constant 1 : i32
      %add3A_152 = arith.addi %add3A_150, %add3A_151 : i32
      %lt3A_153 = arith.constant 48 : i32
      %lt3A_154 = arith.cmpi slt, %add3A_152, %lt3A_153 : i32
      %convert_element_type3A_155 = arith.extui %lt3A_154 : i1 to i32
      %cond3A_156 = arith.constant 0 : i32
      %cond3A_157 = arith.cmpi ne, %convert_element_type3A_155, %cond3A_156 : i32
      scf.if %cond3A_157 {
        %jit3A_267 = arith.constant 2 : i32
        %div3A_268 = arith.divsi %add3A_152, %jit3A_267 : i32
        %sign3A_269 = arith.constant 0 : i32
        %sign3A_270 = arith.cmpi sgt, %add3A_152, %sign3A_269 : i32
        %sign3A_271 = arith.extui %sign3A_270 : i1 to i32
        %sign3A_272 = arith.constant 0 : i32
        %sign3A_273 = arith.cmpi slt, %add3A_152, %sign3A_272 : i32
        %sign3A_274 = arith.extui %sign3A_273 : i1 to i32
        %sign3A_275 = arith.subi %sign3A_271, %sign3A_274 : i32
        %sign3A_276 = arith.constant 0 : i32
        %sign3A_277 = arith.cmpi sgt, %jit3A_267, %sign3A_276 : i32
        %sign3A_278 = arith.extui %sign3A_277 : i1 to i32
        %sign3A_279 = arith.constant 0 : i32
        %sign3A_280 = arith.cmpi slt, %jit3A_267, %sign3A_279 : i32
        %sign3A_281 = arith.extui %sign3A_280 : i1 to i32
        %sign3A_282 = arith.subi %sign3A_278, %sign3A_281 : i32
        %ne3A_283 = arith.cmpi ne, %sign3A_275, %sign3A_282 : i32
        %rem3A_284 = arith.remsi %add3A_152, %jit3A_267 : i32
        %ne3A_285 = arith.constant 0 : i32
        %ne3A_286 = arith.cmpi ne, %rem3A_284, %ne3A_285 : i32
        %and3A_287 = arith.andi %ne3A_283, %ne3A_286 : i1
        %sub3A_288 = arith.constant 1 : i32
        %sub3A_289 = arith.subi %div3A_268, %sub3A_288 : i32
        %select_n3A_290 = arith.select %and3A_287, %sub3A_289, %div3A_268 : i32
        %add3A_291 = arith.addi %mul3A_2, %select_n3A_290 : i32
        %jit3A_292 = arith.constant 2 : i32
        %eq3A_293 = arith.constant 0 : i32
        %eq3A_294 = arith.cmpi eq, %jit3A_292, %eq3A_293 : i32
        %jit3A_295 = arith.constant 1 : i32
        %select_n3A_296 = arith.select %eq3A_294, %jit3A_295, %jit3A_292 : i32
        %rem3A_297 = arith.remsi %add3A_152, %select_n3A_296 : i32
        %ne3A_298 = arith.constant 0 : i32
        %ne3A_299 = arith.cmpi ne, %rem3A_297, %ne3A_298 : i32
        %lt3A_300 = arith.constant 0 : i32
        %lt3A_301 = arith.cmpi slt, %rem3A_297, %lt3A_300 : i32
        %lt3A_302 = arith.constant 0 : i32
        %lt3A_303 = arith.cmpi slt, %select_n3A_296, %lt3A_302 : i32
        %ne3A_304 = arith.xori %lt3A_301, %lt3A_303 : i1
        %and3A_305 = arith.andi %ne3A_304, %ne3A_299 : i1
        %add3A_306 = arith.addi %rem3A_297, %select_n3A_296 : i32
        %select_n3A_307 = arith.select %and3A_305, %add3A_306, %rem3A_297 : i32
        %mul3A_308 = arith.constant 56 : i32
        %mul3A_309 = arith.muli %select_n3A_307, %mul3A_308 : i32
        %dma_start3A_310 = arith.constant 0 : i32
        %dma_start3A_311 = tpu.memref_slice %arg2[%add3A_291, %mul3A_309, %dma_start3A_310] : memref<768x112x112xf32, #tpu.memory_space<hbm>> -> memref<1x56x112xf32, #tpu.memory_space<hbm>>
        %dma_start3A_312 = arith.constant 0 : i32
        %dma_start3A_313 = tpu.memref_slice %arg2[%add3A_291, %mul3A_309, %dma_start3A_312] : memref<768x112x112xf32, #tpu.memory_space<hbm>> -> memref<1x56x112xf32, #tpu.memory_space<hbm>>
        tpu.enqueue_dma source(%dma_start3A_313 : memref<1x56x112xf32, #tpu.memory_space<hbm>>) target(%arg4 : memref<1x56x112xf32, #tpu.memory_space<vmem>>) target_semaphore(%arg8 : memref<!tpu.dma_semaphore, #tpu.memory_space<semaphore_mem>>)
      } else {
      }
      %jit3A_158 = arith.constant 2 : i32
      %div3A_159 = arith.divsi %add3A_150, %jit3A_158 : i32
      %sign3A_160 = arith.constant 0 : i32
      %sign3A_161 = arith.cmpi sgt, %add3A_150, %sign3A_160 : i32
      %sign3A_162 = arith.extui %sign3A_161 : i1 to i32
      %sign3A_163 = arith.constant 0 : i32
      %sign3A_164 = arith.cmpi slt, %add3A_150, %sign3A_163 : i32
      %sign3A_165 = arith.extui %sign3A_164 : i1 to i32
      %sign3A_166 = arith.subi %sign3A_162, %sign3A_165 : i32
      %sign3A_167 = arith.constant 0 : i32
      %sign3A_168 = arith.cmpi sgt, %jit3A_158, %sign3A_167 : i32
      %sign3A_169 = arith.extui %sign3A_168 : i1 to i32
      %sign3A_170 = arith.constant 0 : i32
      %sign3A_171 = arith.cmpi slt, %jit3A_158, %sign3A_170 : i32
      %sign3A_172 = arith.extui %sign3A_171 : i1 to i32
      %sign3A_173 = arith.subi %sign3A_169, %sign3A_172 : i32
      %ne3A_174 = arith.cmpi ne, %sign3A_166, %sign3A_173 : i32
      %rem3A_175 = arith.remsi %add3A_150, %jit3A_158 : i32
      %ne3A_176 = arith.constant 0 : i32
      %ne3A_177 = arith.cmpi ne, %rem3A_175, %ne3A_176 : i32
      %and3A_178 = arith.andi %ne3A_174, %ne3A_177 : i1
      %sub3A_179 = arith.constant 1 : i32
      %sub3A_180 = arith.subi %div3A_159, %sub3A_179 : i32
      %select_n3A_181 = arith.select %and3A_178, %sub3A_180, %div3A_159 : i32
      %add3A_182 = arith.addi %mul3A_2, %select_n3A_181 : i32
      %jit3A_183 = arith.constant 2 : i32
      %eq3A_184 = arith.constant 0 : i32
      %eq3A_185 = arith.cmpi eq, %jit3A_183, %eq3A_184 : i32
      %jit3A_186 = arith.constant 1 : i32
      %select_n3A_187 = arith.select %eq3A_185, %jit3A_186, %jit3A_183 : i32
      %rem3A_188 = arith.remsi %add3A_150, %select_n3A_187 : i32
      %ne3A_189 = arith.constant 0 : i32
      %ne3A_190 = arith.cmpi ne, %rem3A_188, %ne3A_189 : i32
      %lt3A_191 = arith.constant 0 : i32
      %lt3A_192 = arith.cmpi slt, %rem3A_188, %lt3A_191 : i32
      %lt3A_193 = arith.constant 0 : i32
      %lt3A_194 = arith.cmpi slt, %select_n3A_187, %lt3A_193 : i32
      %ne3A_195 = arith.xori %lt3A_192, %lt3A_194 : i1
      %and3A_196 = arith.andi %ne3A_195, %ne3A_190 : i1
      %add3A_197 = arith.addi %rem3A_188, %select_n3A_187 : i32
      %select_n3A_198 = arith.select %and3A_196, %add3A_197, %rem3A_188 : i32
      %mul3A_199 = arith.constant 56 : i32
      %mul3A_200 = arith.muli %select_n3A_198, %mul3A_199 : i32
      %dma_wait3A_201 = arith.constant 0 : i32
      %dma_wait3A_202 = tpu.memref_slice %arg2[%add3A_182, %mul3A_200, %dma_wait3A_201] : memref<768x112x112xf32, #tpu.memory_space<hbm>> -> memref<1x56x112xf32, #tpu.memory_space<hbm>>
      %dma_wait3A_203 = arith.constant 0 : i32
      %dma_wait3A_204 = tpu.memref_slice %arg2[%add3A_182, %mul3A_200, %dma_wait3A_203] : memref<768x112x112xf32, #tpu.memory_space<hbm>> -> memref<1x56x112xf32, #tpu.memory_space<hbm>>
      tpu.wait_dma2 semaphore(%arg9 : memref<!tpu.dma_semaphore, #tpu.memory_space<semaphore_mem>>) src(%dma_wait3A_204 : memref<1x56x112xf32, #tpu.memory_space<hbm>>) dst(%arg5 : memref<1x56x112xf32, #tpu.memory_space<vmem>>)
      %ge3A_205 = arith.constant 2 : i32
      %ge3A_206 = arith.cmpi sge, %add3A_150, %ge3A_205 : i32
      %convert_element_type3A_207 = arith.extui %ge3A_206 : i1 to i32
      %cond3A_208 = arith.constant 0 : i32
      %cond3A_209 = arith.cmpi ne, %convert_element_type3A_207, %cond3A_208 : i32
      scf.if %cond3A_209 {
        %jit3A_267 = arith.constant 2 : i32
        %div3A_268 = arith.divsi %add3A_150, %jit3A_267 : i32
        %sign3A_269 = arith.constant 0 : i32
        %sign3A_270 = arith.cmpi sgt, %add3A_150, %sign3A_269 : i32
        %sign3A_271 = arith.extui %sign3A_270 : i1 to i32
        %sign3A_272 = arith.constant 0 : i32
        %sign3A_273 = arith.cmpi slt, %add3A_150, %sign3A_272 : i32
        %sign3A_274 = arith.extui %sign3A_273 : i1 to i32
        %sign3A_275 = arith.subi %sign3A_271, %sign3A_274 : i32
        %sign3A_276 = arith.constant 0 : i32
        %sign3A_277 = arith.cmpi sgt, %jit3A_267, %sign3A_276 : i32
        %sign3A_278 = arith.extui %sign3A_277 : i1 to i32
        %sign3A_279 = arith.constant 0 : i32
        %sign3A_280 = arith.cmpi slt, %jit3A_267, %sign3A_279 : i32
        %sign3A_281 = arith.extui %sign3A_280 : i1 to i32
        %sign3A_282 = arith.subi %sign3A_278, %sign3A_281 : i32
        %ne3A_283 = arith.cmpi ne, %sign3A_275, %sign3A_282 : i32
        %rem3A_284 = arith.remsi %add3A_150, %jit3A_267 : i32
        %ne3A_285 = arith.constant 0 : i32
        %ne3A_286 = arith.cmpi ne, %rem3A_284, %ne3A_285 : i32
        %and3A_287 = arith.andi %ne3A_283, %ne3A_286 : i1
        %sub3A_288 = arith.constant 1 : i32
        %sub3A_289 = arith.subi %div3A_268, %sub3A_288 : i32
        %select_n3A_290 = arith.select %and3A_287, %sub3A_289, %div3A_268 : i32
        %add3A_291 = arith.addi %mul3A_2, %select_n3A_290 : i32
        %jit3A_292 = arith.constant 2 : i32
        %eq3A_293 = arith.constant 0 : i32
        %eq3A_294 = arith.cmpi eq, %jit3A_292, %eq3A_293 : i32
        %jit3A_295 = arith.constant 1 : i32
        %select_n3A_296 = arith.select %eq3A_294, %jit3A_295, %jit3A_292 : i32
        %rem3A_297 = arith.remsi %add3A_150, %select_n3A_296 : i32
        %ne3A_298 = arith.constant 0 : i32
        %ne3A_299 = arith.cmpi ne, %rem3A_297, %ne3A_298 : i32
        %lt3A_300 = arith.constant 0 : i32
        %lt3A_301 = arith.cmpi slt, %rem3A_297, %lt3A_300 : i32
        %lt3A_302 = arith.constant 0 : i32
        %lt3A_303 = arith.cmpi slt, %select_n3A_296, %lt3A_302 : i32
        %ne3A_304 = arith.xori %lt3A_301, %lt3A_303 : i1
        %and3A_305 = arith.andi %ne3A_304, %ne3A_299 : i1
        %add3A_306 = arith.addi %rem3A_297, %select_n3A_296 : i32
        %select_n3A_307 = arith.select %and3A_305, %add3A_306, %rem3A_297 : i32
        %mul3A_308 = arith.constant 2 : i32
        %mul3A_309 = arith.muli %select_n3A_307, %mul3A_308 : i32
        %mul3A_310 = arith.constant 56 : i32
        %mul3A_311 = arith.muli %mul3A_309, %mul3A_310 : i32
        %dma_wait3A_312 = arith.constant 0 : i32
        %dma_wait3A_313 = tpu.memref_slice %arg3[%add3A_291, %mul3A_311, %dma_wait3A_312] : memref<768x224x224xf32, #tpu.memory_space<hbm>> -> memref<1x112x224xf32, #tpu.memory_space<hbm>>
        %dma_wait3A_314 = arith.constant 0 : i32
        %dma_wait3A_315 = tpu.memref_slice %arg3[%add3A_291, %mul3A_311, %dma_wait3A_314] : memref<768x224x224xf32, #tpu.memory_space<hbm>> -> memref<1x112x224xf32, #tpu.memory_space<hbm>>
        tpu.wait_dma2 semaphore(%arg11 : memref<!tpu.dma_semaphore, #tpu.memory_space<semaphore_mem>>) src(%arg7 : memref<1x112x224xf32, #tpu.memory_space<vmem>>) dst(%dma_wait3A_315 : memref<1x112x224xf32, #tpu.memory_space<hbm>>)
      } else {
      }
      %scan3A_210 = arith.constant 0 : i32
      %scan3A_211 = arith.constant 0 : i32
      %scan3A_212 = arith.constant 28 : i32
      %scan3A_213 = arith.addi %scan3A_211, %scan3A_212 : i32
      %scan3A_214 = arith.constant 1 : i32
      %scan3A_215 = scf.for %scan3A_267 = %scan3A_211 to %scan3A_213 step %scan3A_214 iter_args(%scan3A_268 = %scan3A_210) -> (i32)  : i32 {
        %mul3A_269 = arith.constant 0 : i32
        %mul3A_270 = vector.broadcast %mul3A_269 : i32 to vector<16xi32>
        %mul3A_271 = arith.muli %iota3A, %mul3A_270 : vector<16xi32>
        %mul3A_272 = arith.constant 2 : i32
        %mul3A_273 = arith.muli %scan3A_267, %mul3A_272 : i32
        %add3A_274 = arith.constant 0 : i32
        %add3A_275 = arith.addi %mul3A_273, %add3A_274 : i32
        %mul3A_276 = arith.constant 2 : i32
        %mul3A_277 = arith.muli %mul3A_276, %add3A_275 : i32
        %add3A_278 = arith.constant 1 : i32
        %add3A_279 = arith.addi %mul3A_277, %add3A_278 : i32
        %add3A_280 = vector.broadcast %add3A_279 : i32 to vector<16xi32>
        %add3A_281 = arith.addi %mul3A_271, %add3A_280 : vector<16xi32>
        %get3A = arith.constant 0 : i32
        %get3A_282 = arith.index_cast %get3A : i32 to index
        %get3A_283 = arith.index_cast %add3A_275 : i32 to index
        %get3A_284 = arith.constant 0 : index
        %get3A_285 = tpu.vector_load %arg5[%get3A_282, %get3A_283, %get3A_284] {strides = array<i32>} : memref<1x56x112xf32, #tpu.memory_space<vmem>>, vector<16xf32>,
        %mul3A_286 = arith.constant 2 : i32
        %mul3A_287 = vector.broadcast %mul3A_286 : i32 to vector<16xi32>
        %mul3A_288 = arith.muli %mul3A_287, %iota3A : vector<16xi32>
        %add3A_289 = arith.constant 1 : i32
        %add3A_290 = vector.broadcast %add3A_289 : i32 to vector<16xi32>
        %add3A_291 = arith.addi %add3A_290, %mul3A_288 : vector<16xi32>
        tpu.vector_store_idx %arg7[%mul3A_271, %add3A_281, %add3A_291], %get3A_285 : memref<1x112x224xf32, #tpu.memory_space<vmem>>[vector<16xi32>, vector<16xi32>, vector<16xi32>], vector<16xf32>,
        %get3A_292 = arith.constant 0 : i32
        %get3A_293 = arith.index_cast %get3A_292 : i32 to index
        %get3A_294 = arith.index_cast %add3A_275 : i32 to index
        %get3A_295 = arith.constant 16 : index
        %get3A_296 = tpu.vector_load %arg5[%get3A_293, %get3A_294, %get3A_295] {strides = array<i32>} : memref<1x56x112xf32, #tpu.memory_space<vmem>>, vector<16xf32>,
        %mul3A_297 = arith.constant 2 : i32
        %mul3A_298 = vector.broadcast %mul3A_297 : i32 to vector<16xi32>
        %mul3A_299 = arith.muli %mul3A_298, %iota3A : vector<16xi32>
        %add3A_300 = arith.constant 33 : i32
        %add3A_301 = vector.broadcast %add3A_300 : i32 to vector<16xi32>
        %add3A_302 = arith.addi %add3A_301, %mul3A_299 : vector<16xi32>
        tpu.vector_store_idx %arg7[%mul3A_271, %add3A_281, %add3A_302], %get3A_296 : memref<1x112x224xf32, #tpu.memory_space<vmem>>[vector<16xi32>, vector<16xi32>, vector<16xi32>], vector<16xf32>,
        %get3A_303 = arith.constant 0 : i32
        %get3A_304 = arith.index_cast %get3A_303 : i32 to index
        %get3A_305 = arith.index_cast %add3A_275 : i32 to index
        %get3A_306 = arith.constant 32 : index
        %get3A_307 = tpu.vector_load %arg5[%get3A_304, %get3A_305, %get3A_306] {strides = array<i32>} : memref<1x56x112xf32, #tpu.memory_space<vmem>>, vector<16xf32>,
        %mul3A_308 = arith.constant 2 : i32
        %mul3A_309 = vector.broadcast %mul3A_308 : i32 to vector<16xi32>
        %mul3A_310 = arith.muli %mul3A_309, %iota3A : vector<16xi32>
        %add3A_311 = arith.constant 65 : i32
        %add3A_312 = vector.broadcast %add3A_311 : i32 to vector<16xi32>
        %add3A_313 = arith.addi %add3A_312, %mul3A_310 : vector<16xi32>
        tpu.vector_store_idx %arg7[%mul3A_271, %add3A_281, %add3A_313], %get3A_307 : memref<1x112x224xf32, #tpu.memory_space<vmem>>[vector<16xi32>, vector<16xi32>, vector<16xi32>], vector<16xf32>,
        %get3A_314 = arith.constant 0 : i32
        %get3A_315 = arith.index_cast %get3A_314 : i32 to index
        %get3A_316 = arith.index_cast %add3A_275 : i32 to index
        %get3A_317 = arith.constant 48 : index
        %get3A_318 = tpu.vector_load %arg5[%get3A_315, %get3A_316, %get3A_317] {strides = array<i32>} : memref<1x56x112xf32, #tpu.memory_space<vmem>>, vector<16xf32>,
        %mul3A_319 = arith.constant 2 : i32
        %mul3A_320 = vector.broadcast %mul3A_319 : i32 to vector<16xi32>
        %mul3A_321 = arith.muli %mul3A_320, %iota3A : vector<16xi32>
        %add3A_322 = arith.constant 97 : i32
        %add3A_323 = vector.broadcast %add3A_322 : i32 to vector<16xi32>
        %add3A_324 = arith.addi %add3A_323, %mul3A_321 : vector<16xi32>
        tpu.vector_store_idx %arg7[%mul3A_271, %add3A_281, %add3A_324], %get3A_318 : memref<1x112x224xf32, #tpu.memory_space<vmem>>[vector<16xi32>, vector<16xi32>, vector<16xi32>], vector<16xf32>,
        %get3A_325 = arith.constant 0 : i32
        %get3A_326 = arith.index_cast %get3A_325 : i32 to index
        %get3A_327 = arith.index_cast %add3A_275 : i32 to index
        %get3A_328 = arith.constant 64 : index
        %get3A_329 = tpu.vector_load %arg5[%get3A_326, %get3A_327, %get3A_328] {strides = array<i32>} : memref<1x56x112xf32, #tpu.memory_space<vmem>>, vector<16xf32>,
        %mul3A_330 = arith.constant 2 : i32
        %mul3A_331 = vector.broadcast %mul3A_330 : i32 to vector<16xi32>
        %mul3A_332 = arith.muli %mul3A_331, %iota3A : vector<16xi32>
        %add3A_333 = arith.constant 129 : i32
        %add3A_334 = vector.broadcast %add3A_333 : i32 to vector<16xi32>
        %add3A_335 = arith.addi %add3A_334, %mul3A_332 : vector<16xi32>
        tpu.vector_store_idx %arg7[%mul3A_271, %add3A_281, %add3A_335], %get3A_329 : memref<1x112x224xf32, #tpu.memory_space<vmem>>[vector<16xi32>, vector<16xi32>, vector<16xi32>], vector<16xf32>,
        %get3A_336 = arith.constant 0 : i32
        %get3A_337 = arith.index_cast %get3A_336 : i32 to index
        %get3A_338 = arith.index_cast %add3A_275 : i32 to index
        %get3A_339 = arith.constant 80 : index
        %get3A_340 = tpu.vector_load %arg5[%get3A_337, %get3A_338, %get3A_339] {strides = array<i32>} : memref<1x56x112xf32, #tpu.memory_space<vmem>>, vector<16xf32>,
        %mul3A_341 = arith.constant 2 : i32
        %mul3A_342 = vector.broadcast %mul3A_341 : i32 to vector<16xi32>
        %mul3A_343 = arith.muli %mul3A_342, %iota3A : vector<16xi32>
        %add3A_344 = arith.constant 161 : i32
        %add3A_345 = vector.broadcast %add3A_344 : i32 to vector<16xi32>
        %add3A_346 = arith.addi %add3A_345, %mul3A_343 : vector<16xi32>
        tpu.vector_store_idx %arg7[%mul3A_271, %add3A_281, %add3A_346], %get3A_340 : memref<1x112x224xf32, #tpu.memory_space<vmem>>[vector<16xi32>, vector<16xi32>, vector<16xi32>], vector<16xf32>,
        %get3A_347 = arith.constant 0 : i32
        %get3A_348 = arith.index_cast %get3A_347 : i32 to index
        %get3A_349 = arith.index_cast %add3A_275 : i32 to index
        %get3A_350 = arith.constant 96 : index
        %get3A_351 = tpu.vector_load %arg5[%get3A_348, %get3A_349, %get3A_350] {strides = array<i32>} : memref<1x56x112xf32, #tpu.memory_space<vmem>>, vector<16xf32>,
        %mul3A_352 = arith.constant 2 : i32
        %mul3A_353 = vector.broadcast %mul3A_352 : i32 to vector<16xi32>
        %mul3A_354 = arith.muli %mul3A_353, %iota3A : vector<16xi32>
        %add3A_355 = arith.constant 193 : i32
        %add3A_356 = vector.broadcast %add3A_355 : i32 to vector<16xi32>
        %add3A_357 = arith.addi %add3A_356, %mul3A_354 : vector<16xi32>
        tpu.vector_store_idx %arg7[%mul3A_271, %add3A_281, %add3A_357], %get3A_351 : memref<1x112x224xf32, #tpu.memory_space<vmem>>[vector<16xi32>, vector<16xi32>, vector<16xi32>], vector<16xf32>,
        %mul3A_358 = arith.constant 2 : i32
        %mul3A_359 = arith.muli %scan3A_267, %mul3A_358 : i32
        %add3A_360 = arith.constant 1 : i32
        %add3A_361 = arith.addi %mul3A_359, %add3A_360 : i32
        %mul3A_362 = arith.constant 2 : i32
        %mul3A_363 = arith.muli %mul3A_362, %add3A_361 : i32
        %add3A_364 = arith.constant 1 : i32
        %add3A_365 = arith.addi %mul3A_363, %add3A_364 : i32
        %add3A_366 = vector.broadcast %add3A_365 : i32 to vector<16xi32>
        %add3A_367 = arith.addi %mul3A_271, %add3A_366 : vector<16xi32>
        %get3A_368 = arith.constant 0 : i32
        %get3A_369 = arith.index_cast %get3A_368 : i32 to index
        %get3A_370 = arith.index_cast %add3A_361 : i32 to index
        %get3A_371 = arith.constant 0 : index
        %get3A_372 = tpu.vector_load %arg5[%get3A_369, %get3A_370, %get3A_371] {strides = array<i32>} : memref<1x56x112xf32, #tpu.memory_space<vmem>>, vector<16xf32>,
        %mul3A_373 = arith.constant 2 : i32
        %mul3A_374 = vector.broadcast %mul3A_373 : i32 to vector<16xi32>
        %mul3A_375 = arith.muli %mul3A_374, %iota3A : vector<16xi32>
        %add3A_376 = arith.constant 1 : i32
        %add3A_377 = vector.broadcast %add3A_376 : i32 to vector<16xi32>
        %add3A_378 = arith.addi %add3A_377, %mul3A_375 : vector<16xi32>
        tpu.vector_store_idx %arg7[%mul3A_271, %add3A_367, %add3A_378], %get3A_372 : memref<1x112x224xf32, #tpu.memory_space<vmem>>[vector<16xi32>, vector<16xi32>, vector<16xi32>], vector<16xf32>,
        %get3A_379 = arith.constant 0 : i32
        %get3A_380 = arith.index_cast %get3A_379 : i32 to index
        %get3A_381 = arith.index_cast %add3A_361 : i32 to index
        %get3A_382 = arith.constant 16 : index
        %get3A_383 = tpu.vector_load %arg5[%get3A_380, %get3A_381, %get3A_382] {strides = array<i32>} : memref<1x56x112xf32, #tpu.memory_space<vmem>>, vector<16xf32>,
        %mul3A_384 = arith.constant 2 : i32
        %mul3A_385 = vector.broadcast %mul3A_384 : i32 to vector<16xi32>
        %mul3A_386 = arith.muli %mul3A_385, %iota3A : vector<16xi32>
        %add3A_387 = arith.constant 33 : i32
        %add3A_388 = vector.broadcast %add3A_387 : i32 to vector<16xi32>
        %add3A_389 = arith.addi %add3A_388, %mul3A_386 : vector<16xi32>
        tpu.vector_store_idx %arg7[%mul3A_271, %add3A_367, %add3A_389], %get3A_383 : memref<1x112x224xf32, #tpu.memory_space<vmem>>[vector<16xi32>, vector<16xi32>, vector<16xi32>], vector<16xf32>,
        %get3A_390 = arith.constant 0 : i32
        %get3A_391 = arith.index_cast %get3A_390 : i32 to index
        %get3A_392 = arith.index_cast %add3A_361 : i32 to index
        %get3A_393 = arith.constant 32 : index
        %get3A_394 = tpu.vector_load %arg5[%get3A_391, %get3A_392, %get3A_393] {strides = array<i32>} : memref<1x56x112xf32, #tpu.memory_space<vmem>>, vector<16xf32>,
        %mul3A_395 = arith.constant 2 : i32
        %mul3A_396 = vector.broadcast %mul3A_395 : i32 to vector<16xi32>
        %mul3A_397 = arith.muli %mul3A_396, %iota3A : vector<16xi32>
        %add3A_398 = arith.constant 65 : i32
        %add3A_399 = vector.broadcast %add3A_398 : i32 to vector<16xi32>
        %add3A_400 = arith.addi %add3A_399, %mul3A_397 : vector<16xi32>
        tpu.vector_store_idx %arg7[%mul3A_271, %add3A_367, %add3A_400], %get3A_394 : memref<1x112x224xf32, #tpu.memory_space<vmem>>[vector<16xi32>, vector<16xi32>, vector<16xi32>], vector<16xf32>,
        %get3A_401 = arith.constant 0 : i32
        %get3A_402 = arith.index_cast %get3A_401 : i32 to index
        %get3A_403 = arith.index_cast %add3A_361 : i32 to index
        %get3A_404 = arith.constant 48 : index
        %get3A_405 = tpu.vector_load %arg5[%get3A_402, %get3A_403, %get3A_404] {strides = array<i32>} : memref<1x56x112xf32, #tpu.memory_space<vmem>>, vector<16xf32>,
        %mul3A_406 = arith.constant 2 : i32
        %mul3A_407 = vector.broadcast %mul3A_406 : i32 to vector<16xi32>
        %mul3A_408 = arith.muli %mul3A_407, %iota3A : vector<16xi32>
        %add3A_409 = arith.constant 97 : i32
        %add3A_410 = vector.broadcast %add3A_409 : i32 to vector<16xi32>
        %add3A_411 = arith.addi %add3A_410, %mul3A_408 : vector<16xi32>
        tpu.vector_store_idx %arg7[%mul3A_271, %add3A_367, %add3A_411], %get3A_405 : memref<1x112x224xf32, #tpu.memory_space<vmem>>[vector<16xi32>, vector<16xi32>, vector<16xi32>], vector<16xf32>,
        %get3A_412 = arith.constant 0 : i32
        %get3A_413 = arith.index_cast %get3A_412 : i32 to index
        %get3A_414 = arith.index_cast %add3A_361 : i32 to index
        %get3A_415 = arith.constant 64 : index
        %get3A_416 = tpu.vector_load %arg5[%get3A_413, %get3A_414, %get3A_415] {strides = array<i32>} : memref<1x56x112xf32, #tpu.memory_space<vmem>>, vector<16xf32>,
        %mul3A_417 = arith.constant 2 : i32
        %mul3A_418 = vector.broadcast %mul3A_417 : i32 to vector<16xi32>
        %mul3A_419 = arith.muli %mul3A_418, %iota3A : vector<16xi32>
        %add3A_420 = arith.constant 129 : i32
        %add3A_421 = vector.broadcast %add3A_420 : i32 to vector<16xi32>
        %add3A_422 = arith.addi %add3A_421, %mul3A_419 : vector<16xi32>
        tpu.vector_store_idx %arg7[%mul3A_271, %add3A_367, %add3A_422], %get3A_416 : memref<1x112x224xf32, #tpu.memory_space<vmem>>[vector<16xi32>, vector<16xi32>, vector<16xi32>], vector<16xf32>,
        %get3A_423 = arith.constant 0 : i32
        %get3A_424 = arith.index_cast %get3A_423 : i32 to index
        %get3A_425 = arith.index_cast %add3A_361 : i32 to index
        %get3A_426 = arith.constant 80 : index
        %get3A_427 = tpu.vector_load %arg5[%get3A_424, %get3A_425, %get3A_426] {strides = array<i32>} : memref<1x56x112xf32, #tpu.memory_space<vmem>>, vector<16xf32>,
        %mul3A_428 = arith.constant 2 : i32
        %mul3A_429 = vector.broadcast %mul3A_428 : i32 to vector<16xi32>
        %mul3A_430 = arith.muli %mul3A_429, %iota3A : vector<16xi32>
        %add3A_431 = arith.constant 161 : i32
        %add3A_432 = vector.broadcast %add3A_431 : i32 to vector<16xi32>
        %add3A_433 = arith.addi %add3A_432, %mul3A_430 : vector<16xi32>
        tpu.vector_store_idx %arg7[%mul3A_271, %add3A_367, %add3A_433], %get3A_427 : memref<1x112x224xf32, #tpu.memory_space<vmem>>[vector<16xi32>, vector<16xi32>, vector<16xi32>], vector<16xf32>,
        %get3A_434 = arith.constant 0 : i32
        %get3A_435 = arith.index_cast %get3A_434 : i32 to index
        %get3A_436 = arith.index_cast %add3A_361 : i32 to index
        %get3A_437 = arith.constant 96 : index
        %get3A_438 = tpu.vector_load %arg5[%get3A_435, %get3A_436, %get3A_437] {strides = array<i32>} : memref<1x56x112xf32, #tpu.memory_space<vmem>>, vector<16xf32>,
        %mul3A_439 = arith.constant 2 : i32
        %mul3A_440 = vector.broadcast %mul3A_439 : i32 to vector<16xi32>
        %mul3A_441 = arith.muli %mul3A_440, %iota3A : vector<16xi32>
        %add3A_442 = arith.constant 193 : i32
        %add3A_443 = vector.broadcast %add3A_442 : i32 to vector<16xi32>
        %add3A_444 = arith.addi %add3A_443, %mul3A_441 : vector<16xi32>
        tpu.vector_store_idx %arg7[%mul3A_271, %add3A_367, %add3A_444], %get3A_438 : memref<1x112x224xf32, #tpu.memory_space<vmem>>[vector<16xi32>, vector<16xi32>, vector<16xi32>], vector<16xf32>,
        %scan3A_445 = arith.constant 0 : i32
        scf.yield %scan3A_445 : i32
      }
      %scan3A_216 = arith.constant 28 : i32
      %jit3A_217 = arith.constant 2 : i32
      %div3A_218 = arith.divsi %add3A_150, %jit3A_217 : i32
      %sign3A_219 = arith.constant 0 : i32
      %sign3A_220 = arith.cmpi sgt, %add3A_150, %sign3A_219 : i32
      %sign3A_221 = arith.extui %sign3A_220 : i1 to i32
      %sign3A_222 = arith.constant 0 : i32
      %sign3A_223 = arith.cmpi slt, %add3A_150, %sign3A_222 : i32
      %sign3A_224 = arith.extui %sign3A_223 : i1 to i32
      %sign3A_225 = arith.subi %sign3A_221, %sign3A_224 : i32
      %sign3A_226 = arith.constant 0 : i32
      %sign3A_227 = arith.cmpi sgt, %jit3A_217, %sign3A_226 : i32
      %sign3A_228 = arith.extui %sign3A_227 : i1 to i32
      %sign3A_229 = arith.constant 0 : i32
      %sign3A_230 = arith.cmpi slt, %jit3A_217, %sign3A_229 : i32
      %sign3A_231 = arith.extui %sign3A_230 : i1 to i32
      %sign3A_232 = arith.subi %sign3A_228, %sign3A_231 : i32
      %ne3A_233 = arith.cmpi ne, %sign3A_225, %sign3A_232 : i32
      %rem3A_234 = arith.remsi %add3A_150, %jit3A_217 : i32
      %ne3A_235 = arith.constant 0 : i32
      %ne3A_236 = arith.cmpi ne, %rem3A_234, %ne3A_235 : i32
      %and3A_237 = arith.andi %ne3A_233, %ne3A_236 : i1
      %sub3A_238 = arith.constant 1 : i32
      %sub3A_239 = arith.subi %div3A_218, %sub3A_238 : i32
      %select_n3A_240 = arith.select %and3A_237, %sub3A_239, %div3A_218 : i32
      %add3A_241 = arith.addi %mul3A_2, %select_n3A_240 : i32
      %jit3A_242 = arith.constant 2 : i32
      %eq3A_243 = arith.constant 0 : i32
      %eq3A_244 = arith.cmpi eq, %jit3A_242, %eq3A_243 : i32
      %jit3A_245 = arith.constant 1 : i32
      %select_n3A_246 = arith.select %eq3A_244, %jit3A_245, %jit3A_242 : i32
      %rem3A_247 = arith.remsi %add3A_150, %select_n3A_246 : i32
      %ne3A_248 = arith.constant 0 : i32
      %ne3A_249 = arith.cmpi ne, %rem3A_247, %ne3A_248 : i32
      %lt3A_250 = arith.constant 0 : i32
      %lt3A_251 = arith.cmpi slt, %rem3A_247, %lt3A_250 : i32
      %lt3A_252 = arith.constant 0 : i32
      %lt3A_253 = arith.cmpi slt, %select_n3A_246, %lt3A_252 : i32
      %ne3A_254 = arith.xori %lt3A_251, %lt3A_253 : i1
      %and3A_255 = arith.andi %ne3A_254, %ne3A_249 : i1
      %add3A_256 = arith.addi %rem3A_247, %select_n3A_246 : i32
      %select_n3A_257 = arith.select %and3A_255, %add3A_256, %rem3A_247 : i32
      %mul3A_258 = arith.constant 2 : i32
      %mul3A_259 = arith.muli %select_n3A_257, %mul3A_258 : i32
      %mul3A_260 = arith.constant 56 : i32
      %mul3A_261 = arith.muli %mul3A_259, %mul3A_260 : i32
      %dma_start3A_262 = arith.constant 0 : i32
      %dma_start3A_263 = tpu.memref_slice %arg3[%add3A_241, %mul3A_261, %dma_start3A_262] : memref<768x224x224xf32, #tpu.memory_space<hbm>> -> memref<1x112x224xf32, #tpu.memory_space<hbm>>
      %dma_start3A_264 = arith.constant 0 : i32
      %dma_start3A_265 = tpu.memref_slice %arg3[%add3A_241, %mul3A_261, %dma_start3A_264] : memref<768x224x224xf32, #tpu.memory_space<hbm>> -> memref<1x112x224xf32, #tpu.memory_space<hbm>>
      tpu.enqueue_dma source(%arg7 : memref<1x112x224xf32, #tpu.memory_space<vmem>>) target(%dma_start3A_265 : memref<1x112x224xf32, #tpu.memory_space<hbm>>) target_semaphore(%arg11 : memref<!tpu.dma_semaphore, #tpu.memory_space<semaphore_mem>>)
      %scan3A_266 = arith.constant 0 : i32
      scf.yield %scan3A_266 : i32
    }
    %scan3A_23 = arith.constant 24 : i32
    %add3A_24 = arith.constant 23 : i32
    %add3A_25 = arith.addi %mul3A_2, %add3A_24 : i32
    %dma_wait3A = arith.constant 0 : i32
    %dma_wait3A_26 = arith.constant 0 : i32
    %dma_wait3A_27 = tpu.memref_slice %arg3[%add3A_25, %dma_wait3A, %dma_wait3A_26] : memref<768x224x224xf32, #tpu.memory_space<hbm>> -> memref<1x112x224xf32, #tpu.memory_space<hbm>>
    %dma_wait3A_28 = arith.constant 0 : i32
    %dma_wait3A_29 = arith.constant 0 : i32
    %dma_wait3A_30 = tpu.memref_slice %arg3[%add3A_25, %dma_wait3A_28, %dma_wait3A_29] : memref<768x224x224xf32, #tpu.memory_space<hbm>> -> memref<1x112x224xf32, #tpu.memory_space<hbm>>
    tpu.wait_dma2 semaphore(%arg10 : memref<!tpu.dma_semaphore, #tpu.memory_space<semaphore_mem>>) src(%arg6 : memref<1x112x224xf32, #tpu.memory_space<vmem>>) dst(%dma_wait3A_30 : memref<1x112x224xf32, #tpu.memory_space<hbm>>)
    %add3A_31 = arith.constant 23 : i32
    %add3A_32 = arith.addi %mul3A_2, %add3A_31 : i32
    %dma_wait3A_33 = arith.constant 112 : i32
    %dma_wait3A_34 = arith.constant 0 : i32
    %dma_wait3A_35 = tpu.memref_slice %arg3[%add3A_32, %dma_wait3A_33, %dma_wait3A_34] : memref<768x224x224xf32, #tpu.memory_space<hbm>> -> memref<1x112x224xf32, #tpu.memory_space<hbm>>
    %dma_wait3A_36 = arith.constant 112 : i32
    %dma_wait3A_37 = arith.constant 0 : i32
    %dma_wait3A_38 = tpu.memref_slice %arg3[%add3A_32, %dma_wait3A_36, %dma_wait3A_37] : memref<768x224x224xf32, #tpu.memory_space<hbm>> -> memref<1x112x224xf32, #tpu.memory_space<hbm>>
    tpu.wait_dma2 semaphore(%arg11 : memref<!tpu.dma_semaphore, #tpu.memory_space<semaphore_mem>>) src(%arg7 : memref<1x112x224xf32, #tpu.memory_space<vmem>>) dst(%dma_wait3A_38 : memref<1x112x224xf32, #tpu.memory_space<hbm>>)
    return
  }
}

</mosaic_0001>

<sc_bundles>
// kernel: kernel.3.cloned.1.call-start
scs
__scs_entry_jumppad:
0x0: {  	(pc) =	sbr.rel $0x88, $3  }
0x1: {  	(tag) =	ssettag $0x0;
	lr =	simm.s32 $0x1  }
0x2: {  	[smem:$0x3FA0] =	sst lr;
	_ =	strace $0xD0000000  }
0x3: {  	_ = 	snop  }
0x4: {  	_ = 	snop  }
0x5: {  	_ = 	snop  }
0x6: {  	_ = 	snop  }
0x7: {  	_ = 	snop  }
__scs_overlays_trampoline_lowered:
0x8: {  	[smem:$0x3FAF] =	sst s0  }
0x9: {  	[smem:$0x3FB0] =	sst s1  }
0xa: {  	[smem:$0x3FB1] =	sst s2  }
0xb: {  	[smem:$0x3FB2] =	sst s3  }
0xc: {  	[smem:$0x3FB3] =	sst s4  }
0xd: {  	[smem:$0x3FB4] =	sst s5  }
0xe: {  	[smem:$0x3FB5] =	sst s6  }
0xf: {  	[smem:$0x3FB6] =	sst s7  }
0x10: {  	[smem:$0x3FB7] =	sst s8  }
0x11: {  	[smem:$0x3FB8] =	sst s9;
	s0 =	simm.s32 @!p0 $0x0  }
0x12: {  	s1 =	sld [smem:$0x3F9E];
	s0 =	simm.s32 @p0 $0x1  }
0x13: {  	[smem:$0x3FB9] =	sst s0;
	s0 =	simm.s32 @!p1 $0x0  }
0x14: {  	s2 =	sld [smem:$0x3F9D];
	s0 =	simm.s32 @p1 $0x1  }
0x15: {  	[smem:$0x3FBA] =	sst s0;
	s0 =	simm.s32 @!p2 $0x0  }
0x16: {  	s3 =	sld [smem:$0x3FDB];
	s0 =	simm.s32 @p2 $0x1  }
0x17: {  	s4 =	simm.s32 $0x1BF5;
	[smem:$0x3FBC] =	sst s0  }
0x18: {  	s0 =	sld [smem:$0x3F9F];
	_ =	swait.ge [sflag:s4], $0x0  }
0x19: {  	s7 =	sld [smem:$0x3FA0]  }
0x1a: {  	s8 =	sadd.s32 $0xFFFFE003, lr  }
0x1b: {  	s9 =	sadd.s32 $0xFFFFFEF7, lr;
	s5 =	simm.s32 $0xFFFFFFFF;
	p2 =	slt.u32 s8, $0xFFFFF086  }
0x1c: {  	p1 =	slt.u32 s9, $0xF7A;
	s5 =	simm.s32 @!p2 $0x0  }
0x1d: {  	s5 =	simm.s32 @p1 $0x1;
	p0 =	seq.s32 s7, s2  }
0x1e: {  	s7 =	smul.u32 @!p0 $0xF7A, s2;
	p2 =	seq.s32 @!p0 s5, $0x0  }
0x1f: {  	s9 =	smul.u32 $0xF7A, s1;
	s8 =	simm.s32 @!p0 $0x1BF5;
	p2 =	por !p2, p0  }
0x20: {  	[sflag:s8] =	ssyncset.s32 @!p0 $0xFFFFF086;
	s6 =	sadd.s32 @!p0 s3, s7;
	s7 =	simm.s32 @!p0 $0x108  }
0x21: {  	s3 =	sadd.s32 s3, s9;
	s6 =	sadd.s32 @!p0 $0x88, s6;
	s7 =	simm.s32 @p2 $0x1082  }
0x22: {  	[simem:s7], [sflag:s8] =	dma.local @!p0 [hbm:s6], $0xF7A  }
0x23: {  	s9 =	sor.u32 $0xD0000000, s2;
	s6 =	simm.s32 $0x108;
	_ =	swait.ge @!p0 [sflag:s8], $0x0  }
0x24: {  	s3 =	sadd.s32 $0x88, s3;
	s6 =	simm.s32 @!p1 $0x1082;
	[sflag:s4] =	ssyncset.s32 $0xFFFFF086  }
0x25: {  	[simem:s6], [sflag:s4] =	dma.local [hbm:s3], $0xF7A  }
0x26: {  	[smem:$0x3FA0] =	sst s1;
	(tag) =	ssettag s2;
	_ =	strace s9  }
0x27: {  	s1 =	sld [smem:$0x3FB0]  }
0x28: {  	s2 =	sld [smem:$0x3FB1]  }
0x29: {  	s4 =	sld [smem:$0x3FB3]  }
0x2a: {  	p0 =	seq.s32 s5, $0x0;
	s5 =	sld [smem:$0x3FB4]  }
0x2b: {  	s6 =	sld [smem:$0x3FB5]  }
0x2c: {  	s7 =	sld [smem:$0x3FB6]  }
0x2d: {  	s3 =	simm.s32 $0x108;
	s8 =	sld [smem:$0x3FB7]  }
0x2e: {  	s3 =	simm.s32 @!p0 $0x1082;
	s9 =	sld [smem:$0x3FB8]  }
0x2f: {  	lr =	sadd.s32 s0, s3;
	s0 =	sld [smem:$0x3FAF]  }
0x30: {  	s3 =	sld [smem:$0x3FB2]  }
0x31: {  	[smem:$0x3FBB] =	sst s10  }
0x32: {  	s10 =	sld [smem:$0x3FB9];
	_ =	sdelay $0x3  }
0x33: {  	p0 =	seq.s32 s10, $0x1;
	s10 =	sld [smem:$0x3FBB];
	_ =	sdelay $0x3  }
0x34: {  	[smem:$0x3FBB] =	sst s10  }
0x35: {  	s10 =	sld [smem:$0x3FBA];
	_ =	sdelay $0x3  }
0x36: {  	p1 =	seq.s32 s10, $0x1;
	s10 =	sld [smem:$0x3FBB];
	_ =	sdelay $0x3  }
0x37: {  	[smem:$0x3FBB] =	sst s10  }
0x38: {  	s10 =	sld [smem:$0x3FBC]  }
0x39: {  	_ = 	snop;
	(pc) =	sbr.ind lr, $3  }
0x3a: {  	_ = 	snop  }
0x3b: {  	_ = 	snop  }
0x3c: {  	p2 =	seq.s32 s10, $0x1;
	s10 =	sld [smem:$0x3FBB]  }
0x3d: {  	_ =	shalt  }
0x3e: {  	_ =	shalt  }
0x3f: {  	_ =	shalt  }
0x40: {  	_ =	shalt  }
0x41: {  	_ =	shalt  }
0x42: {  	_ =	shalt  }
0x43: {  	_ =	shalt  }
0x44: {  	_ =	shalt  }
0x45: {  	_ =	shalt  }
0x46: {  	_ =	shalt  }
0x47: {  	_ =	shalt  }
0x48: {  	_ =	shalt  }
0x49: {  	_ =	shalt  }
0x4a: {  	_ =	shalt  }
0x4b: {  	_ =	shalt  }
0x4c: {  	_ =	shalt  }
0x4d: {  	_ =	shalt  }
0x4e: {  	_ =	shalt  }
0x4f: {  	_ =	shalt  }
0x50: {  	_ =	shalt  }
0x51: {  	_ =	shalt  }
0x52: {  	_ =	shalt  }
0x53: {  	_ =	shalt  }
0x54: {  	_ =	shalt  }
0x55: {  	_ =	shalt  }
0x56: {  	_ =	shalt  }
0x57: {  	_ =	shalt  }
0x58: {  	_ =	shalt  }
0x59: {  	_ =	shalt  }
0x5a: {  	_ =	shalt  }
0x5b: {  	_ =	shalt  }
0x5c: {  	_ =	shalt  }
0x5d: {  	_ =	shalt  }
0x5e: {  	_ =	shalt  }
0x5f: {  	_ =	shalt  }
0x60: {  	_ =	shalt  }
0x61: {  	_ =	shalt  }
0x62: {  	_ =	shalt  }
0x63: {  	_ =	shalt  }
0x64: {  	_ =	shalt  }
0x65: {  	_ =	shalt  }
0x66: {  	_ =	shalt  }
0x67: {  	_ =	shalt  }
0x68: {  	_ =	shalt  }
0x69: {  	_ =	shalt  }
0x6a: {  	_ =	shalt  }
0x6b: {  	_ =	shalt  }
0x6c: {  	_ =	shalt  }
0x6d: {  	_ =	shalt  }
0x6e: {  	_ =	shalt  }
0x6f: {  	_ =	shalt  }
0x70: {  	_ =	shalt  }
0x71: {  	_ =	shalt  }
0x72: {  	_ =	shalt  }
0x73: {  	_ =	shalt  }
0x74: {  	_ =	shalt  }
0x75: {  	_ =	shalt  }
0x76: {  	_ =	shalt  }
0x77: {  	_ =	shalt  }
0x78: {  	_ =	shalt  }
0x79: {  	_ =	shalt  }
0x7a: {  	_ =	shalt  }
0x7b: {  	_ =	shalt  }
0x7c: {  	_ =	shalt  }
0x7d: {  	_ =	shalt  }
0x7e: {  	_ =	shalt  }
0x7f: {  	_ =	shalt  }
0x80: {  	_ =	shalt  }
0x81: {  	_ =	shalt  }
0x82: {  	_ =	shalt  }
0x83: {  	_ =	shalt  }
0x84: {  	_ =	shalt  }
0x85: {  	_ =	shalt  }
0x86: {  	_ =	shalt  }
0x87: {  	_ =	shalt  }
.Lfunc_end0:
.L_simem_size_0:
called_computation_lowered:
.L_overlay_start_0:
0x88: {  	s2 =	sld [smem:$0x3FD9]  }
0x89: {  	s3 =	sld [smem:$0x3FFE];
	_ =	sdelay $0x1  }
0x8a: {  	s1 =	srdreg.scid  }
0x8b: {  	s0 =	sand.u32 $0x1, s1  }
0x8c: {  	s18 =	sshll.u32 s0, $0xA;
	s2 =	sadd.s32 s3, s2  }
0x8d: {  	s2 =	sadd.s32 s2, s18  }
0x8e: {  	[smem:$0x3FC7] =	sst s2  }
0x8f: {  	_ = 	snop  }
0x90: {  	s2 =	sld [smem:$0x3FC9]  }
0x91: {  	s19 =	sld [smem:$0x3FD0];
	(tm) =	ssettm $0x1  }
0x92: {  	s4 =	sld [smem:$0x3FFB];
	_ =	sdelay $0x3  }
0x93: {  	_ =	strace s4  }
0x94: {  	s4 =	sld [smem:$0x3FFC];
	_ =	sdelay $0x3  }
0x95: {  	_ =	strace s4  }
0x96: {  	s4 =	sld [smem:$0x3FFD];
	_ =	sdelay $0x3  }
0x97: {  	_ =	strace s4  }
0x98: {  	_ =	strace $0x8FFFFFFF  }
0x99: {  	s20 =	sld [smem:$0x3FDB];
	_ =	sdelay $0x1  }
0x9a: {  	s5 =	simm.s32 $_scs_section_size  }
0x9b: {  	s6 =	simm.s32 $_size__tile_overlayer_lowered;
	s7 =	simm.s32 $_tile_overlayer_lowered  }
0x9c: {  	s23 =	simm.s32 $0x1BFF;
	s22 =	sshll.u32 s7, $0x1;
	s4 =	sadd.s32 s5, s20  }
0x9d: {  	s8 =	simm.s32 $0x0;
	s21 =	sshll.u32 s6, $0x1;
	s6 =	sadd.s32 s22, s4  }
0x9e: {  	[timem:s8], [sflag:s23] =	dma.local [hbm:s6], s21  }
0x9f: {  	_ =	swait.ge [sflag:s23], s21  }
0xa0: {  	s5 =	ssub.s32 $0x0, s21;
	[sflag:s23] =	ssyncset.done $0x0  }
0xa1: {  	[sflag:s23] =	ssyncadd.s32 s5;
	_ =	sdelay $0x1  }
0xa2: {  	s24 =	simm.s32 $0x1B8B  }
0xa3: {  	_ =	swait.ge [sflag:s24], $0x1  }
0xa4: {  	[sflag:s24] =	ssyncset.done $0x0  }
0xa5: {  	s25 =	simm.s32 $0x1B8E;
	[sflag:s24] =	ssyncadd.s32 $0xFFFFFFFF  }
0xa6: {  	s26 =	simm.s32 $execute0_lowered;
	[smem:$0x3FD2] =	sst s25  }
0xa7: {  	s5 =	sshll.u32 s26, $0x1;
	_ =	strace $0x80000046;
	[dreg:$0x1] =	wrdreg $0xFFFFFFFF  }
0xa8: {  	s28 =	simm.s32 $_size_execute0_lowered;
	s4 =	sadd.s32 s4, s5;
	[dreg:$0x0] =	wrdreg $0x0  }
0xa9: {  	s5 =	sshll.u32 s28, $0x1;
	[dreg:$0x2] =	wrdreg s4  }
0xaa: {  	[dreg:$0x3] =	wrdreg s5  }
0xab: {  	[dreg:$0x4] =	wrdreg $0xC0  }
0xac: {  	_ =	task [dreg:s8], $0x5FFFF  }
0xad: {  	[dreg:$0x1] =	wrdreg $0xFFFFFFFF  }
0xae: {  	[dreg:$0x0] =	wrdreg $0x60  }
0xaf: {  	[dreg:$0x2] =	wrdreg s2  }
0xb0: {  	[dreg:$0x3] =	wrdreg s19  }
0xb1: {  	[dreg:$0x4] =	wrdreg $0x9  }
0xb2: {  	_ =	task.clear_ibuf [dreg:s8], $0x5FFFF;
	_ =	strace $0x90000046  }
0xb3: {  	s29 =	simm.s32 $0x9;
	_ =	strace $0x80000048  }
0xb4: {  	_ =	swait.ge [sflag:s29], $0x1  }
0xb5: {  	[sflag:s29] =	ssyncadd.s32 $0xFFFFFFFF  }
0xb6: {  	_ =	strace $0x90000048  }
0xb7: {  	_ =	sfence  }
0xb8: {  	s30 =	sld [smem:$0x0];
	_ =	sdelay $0x2  }
0xb9: {  	s31 =	sshll.u32 s1, $0xD;
	s1 =	sshrl.u32 s1, $0x2  }
0xba: {  	s3 =	sand.u32 $0x4000, s31;
	s1 =	sadd.s32 s1, s30  }
0xbb: {  	s0 =	sor.u32 s3, s0;
	s1 =	sshll.u32 s1, $0x11  }
0xbc: {  	s0 =	sor.u32 s1, s0  }
0xbd: {  	s0 =	sadd.s32 $0x8F2B, s0  }
0xbe: {  	[sflag:s0] =	ssyncadd.remote.s32 $0x1  }
0xbf: {  	_ =	sfence.sel $0xFFFF  }
0xc0: {  	[dreg:$0x0] =	wrdreg $0xFFFFFFFF;
	(pc) =	sbr.abs _section_cstart, $3  }
0xc1: {  	[dreg:$0x1] =	wrdreg $0xFFFFFFFF  }
0xc2: {  	_ =	task.clear_ibuf [dreg:s8], $0x2FFFF;
	_ =	strace $0x9FFFFFFF  }
0xc3: {  	(tm) =	ssettm $0x7FFFFFFF  }
tec
execute0_lowered:
.L_overlay_start_1:
0x0: {  	(tag) =	ssettag $0x1  }
0x1: {  	s1 =	srdreg.scid  }
0x2: {  	s0 =	stileid.u32;
	s2 =	rddreg [dreg:$0x0]  }
0x3: {  	s3 =	rddreg [dreg:$0x1];
	s4 =	simm.s32 $0x0;
	s9 =	simm.s32 $0x1C00  }
0x4: {  	s10 =	simm.s32 $0x1;
	s11 =	simm.s32 $0x3800;
	s12 =	simm.s32 $0x2  }
0x5: {  	v0 =	vlaneseq.u32;
	s13 =	simm.s32 $0x4;
	s6 =	sand.u32 $0x1, s1;
	s31 =	sshll.u32 s0, $0x1  }
0x6: {  	s14 =	simm.s32 $0xA800;
	s15 =	simm.s32 $0x3;
	v7 =	vmul.u32 $0x2, v0;
	s7 =	sor.u32 s6, s31  }
0x7: {  	s16 =	simm.s32 $0x0;
	s6 =	ssub.s32 $0x2, s6;
	s5 =	smul.u32 $0x18, s7  }
0x8: {  	[smem:$0x7FF] =	sst s4;
	v0 =	vimm.f32 $0.0e+00;
	s7 =	smul.u32 $0xA800, s7;
	s8 =	sshrl.u32 s6, $0x1;
	v1 =	vor.u32 $0x1, v7  }
0x9: {  	s1 =	rddreg [dreg:$0x2];
	_ =	strace $0x80000047;
	v2 =	vor.u32 $0x21, v7;
	v3 =	vor.u32 $0x41, v7;
	v4 =	vor.u32 $0x61, v7;
	s8 =	ssub.s32 s6, s8  }
0xa: {  	v5 =	vor.u32 $0x401, v7;
	v6 =	vor.u32 $0x421, v7;
	v7 =	vor.u32 $0x441, v7;
	s6 =	sadd.s32 s2, s7;
	s7 =	sor.u32 $0x1, s5;
	s8 =	smax.u32 s8, $0x1  }
.LBB2_1:
0xb: {  	s17 =	sand.u32 $0x7800, s4;
	s18 =	sand.u32 $0x380, s4  }
0xc: {  	s17 =	sor.u32 s18, s17  }
0xd: {  	[tilespmem:s17+$0xAC50] =	vst v0  }
0xe: {  	[tilespmem:s17+$0x3800] =	vst v0  }
0xf: {  	[tilespmem:s17+$0x3810] =	vst v0  }
0x10: {  	[tilespmem:s17+$0x3820] =	vst v0  }
0x11: {  	[tilespmem:s17+$0x3830] =	vst v0  }
0x12: {  	[tilespmem:s17+$0x3840] =	vst v0  }
0x13: {  	[tilespmem:s17+$0x3850] =	vst v0  }
0x14: {  	[tilespmem:s17+$0x3860] =	vst v0  }
0x15: {  	[tilespmem:s17+$0x3870] =	vst v0  }
0x16: {  	[tilespmem:s17+$0x3C00] =	vst v0  }
0x17: {  	[tilespmem:s17+$0x3C10] =	vst v0  }
0x18: {  	[tilespmem:s17+$0x3C20] =	vst v0  }
0x19: {  	[tilespmem:s17+$0x3C30] =	vst v0  }
0x1a: {  	[tilespmem:s17+$0x3C40] =	vst v0  }
0x1b: {  	[tilespmem:s17+$0x3C50] =	vst v0  }
0x1c: {  	[tilespmem:s17+$0xA800] =	vst v0  }
0x1d: {  	[tilespmem:s17+$0xA810] =	vst v0  }
0x1e: {  	[tilespmem:s17+$0xA820] =	vst v0  }
0x1f: {  	[tilespmem:s17+$0xA830] =	vst v0  }
0x20: {  	[tilespmem:s17+$0xA840] =	vst v0  }
0x21: {  	[tilespmem:s17+$0xA850] =	vst v0  }
0x22: {  	[tilespmem:s17+$0xA860] =	vst v0  }
0x23: {  	[tilespmem:s17+$0xA870] =	vst v0  }
0x24: {  	[tilespmem:s17+$0xAC00] =	vst v0  }
0x25: {  	[tilespmem:s17+$0xAC10] =	vst v0  }
0x26: {  	s19 =	simm.s32 $0x100;
	s18 =	simm.s32 $0x80;
	[tilespmem:s17+$0xAC20] =	vst v0  }
0x27: {  	s20 =	sand.u32 $0x7800, s19;
	s19 =	simm.s32 $0x200;
	s21 =	sand.u32 $0x380, s18;
	[tilespmem:s17+$0xAC30] =	vst v0  }
.LBB2_2:
0x28: {  	p0 =	sne.s32 s19, $0x6F00;
	[tilespmem:s17+$0xAC40] =	vst v0;
	s17 =	sor.u32 s21, s20  }
0x29: {  	[tilespmem:s17+$0xAC50] =	vst v0  }
0x2a: {  	[tilespmem:s17+$0x3800] =	vst v0  }
0x2b: {  	[tilespmem:s17+$0x3810] =	vst v0  }
0x2c: {  	[tilespmem:s17+$0x3820] =	vst v0  }
0x2d: {  	[tilespmem:s17+$0x3830] =	vst v0  }
0x2e: {  	[tilespmem:s17+$0x3840] =	vst v0  }
0x2f: {  	[tilespmem:s17+$0x3850] =	vst v0  }
0x30: {  	[tilespmem:s17+$0x3860] =	vst v0  }
0x31: {  	[tilespmem:s17+$0x3870] =	vst v0  }
0x32: {  	[tilespmem:s17+$0x3C00] =	vst v0  }
0x33: {  	[tilespmem:s17+$0x3C10] =	vst v0  }
0x34: {  	[tilespmem:s17+$0x3C20] =	vst v0  }
0x35: {  	[tilespmem:s17+$0x3C30] =	vst v0  }
0x36: {  	[tilespmem:s17+$0x3C40] =	vst v0  }
0x37: {  	[tilespmem:s17+$0x3C50] =	vst v0  }
0x38: {  	[tilespmem:s17+$0xA800] =	vst v0  }
0x39: {  	[tilespmem:s17+$0xA810] =	vst v0  }
0x3a: {  	[tilespmem:s17+$0xA820] =	vst v0  }
0x3b: {  	[tilespmem:s17+$0xA830] =	vst v0  }
0x3c: {  	[tilespmem:s17+$0xA840] =	vst v0  }
0x3d: {  	[tilespmem:s17+$0xA850] =	vst v0  }
0x3e: {  	[tilespmem:s17+$0xA860] =	vst v0  }
.Ltmp0:
0x3f: {  	[tilespmem:s17+$0xA870] =	vst v0;
	(pc) =	sbr.rel @p0 .LBB2_2-.Ltmp0, $4  }
0x40: {  	[tilespmem:s17+$0xAC00] =	vst v0  }
0x41: {  	[tilespmem:s17+$0xAC10] =	vst v0  }
0x42: {  	s18 =	sadd.s32 $0x80, s18;
	[tilespmem:s17+$0xAC20] =	vst v0  }
0x43: {  	s20 =	sand.u32 $0x7800, s19;
	s19 =	sadd.s32 $0x100, s19;
	s21 =	sand.u32 $0x380, s18;
	[tilespmem:s17+$0xAC30] =	vst v0  }
0x44: {  	s18 =	sor.u32 s21, s20;
	[tilespmem:s17+$0xAC40] =	vst v0  }
0x45: {  	[tilespmem:s18+$0xAC50] =	vst v0  }
0x46: {  	[tilespmem:s18+$0x3800] =	vst v0  }
0x47: {  	[tilespmem:s18+$0x3810] =	vst v0  }
0x48: {  	[tilespmem:s18+$0x3820] =	vst v0  }
0x49: {  	[tilespmem:s18+$0x3830] =	vst v0  }
0x4a: {  	[tilespmem:s18+$0x3840] =	vst v0  }
0x4b: {  	[tilespmem:s18+$0x3850] =	vst v0  }
0x4c: {  	[tilespmem:s18+$0x3860] =	vst v0  }
0x4d: {  	[tilespmem:s18+$0x3870] =	vst v0  }
0x4e: {  	[tilespmem:s18+$0x3C00] =	vst v0  }
0x4f: {  	[tilespmem:s18+$0x3C10] =	vst v0  }
0x50: {  	[tilespmem:s18+$0x3C20] =	vst v0  }
0x51: {  	[tilespmem:s18+$0x3C30] =	vst v0  }
0x52: {  	[tilespmem:s18+$0x3C40] =	vst v0  }
0x53: {  	[tilespmem:s18+$0x3C50] =	vst v0  }
0x54: {  	[tilespmem:s18+$0xA800] =	vst v0  }
0x55: {  	[tilespmem:s18+$0xA810] =	vst v0  }
0x56: {  	[tilespmem:s18+$0xA820] =	vst v0  }
0x57: {  	[tilespmem:s18+$0xA830] =	vst v0  }
0x58: {  	[tilespmem:s18+$0xA840] =	vst v0  }
0x59: {  	[tilespmem:s18+$0xA850] =	vst v0  }
0x5a: {  	[tilespmem:s18+$0xA860] =	vst v0  }
0x5b: {  	[tilespmem:s18+$0xA870] =	vst v0  }
0x5c: {  	[tilespmem:s18+$0xAC00] =	vst v0  }
0x5d: {  	[tilespmem:s18+$0xAC10] =	vst v0  }
0x5e: {  	[tilespmem:s18+$0xAC20] =	vst v0  }
0x5f: {  	[tilespmem:s18+$0xAC30] =	vst v0  }
0x60: {  	s17 =	simm.s32 $0x0;
	[tilespmem:s18+$0xAC40] =	vst v0  }
0x61: {  	[tilespmem:s17], [sflag:$0x1] =	stream.linear.gather [hbm4b:s6+s17], $0x1C00, $0x38;
	[tilespmem:$0x11800] =	vst v63  }
.LBB2_4:
0x62: {  	s18 =	sadd.s32 s5, s17  }
0x63: {  	s19 =	smul.u32 $0x3800, s18;
	_ =	sdelay $0x1  }
0x64: {  	s19 =	sshrl.u32 s19, $0x3  }
0x65: {  	s19 =	sadd.s32 s2, s19  }
0x66: {  	s19 =	sadd.s32 $0x380, s19  }
0x67: {  	[tilespmem:s9], [sflag:$0x2] =	stream.linear.gather [hbm4b:s19+s4], $0x1C00, $0x38;
	[tilespmem:$0x11800] =	vst v63  }
0x68: {  	_ =	swait.ge [sflag:s10], $0x1C00  }
0x69: {  	p0 =	seq.s32 s17, $0x0;
	s30 =	simm.s32 $0x1;
	[sflag:s10] =	ssyncset.done $0x0  }
0x6a: {  	s20 =	simm.s32 @!p0 $0x3;
	v8 =	vmov s30;
	[sflag:s10] =	ssyncadd.s32 $0xFFFFE400  }
0x6b: {  	v9 =	vshll.u32 v8, $0x8;
	v8 =	vshll.u32 v8, $0x7;
	_ =	swait.ge @!p0 [sflag:s20], $0x7000  }
0x6c: {  	v9 =	vand.u32 $0x7800, v9;
	v8 =	vand.u32 $0x280, v8;
	[sflag:s20] =	ssyncset.done @!p0 $0x0  }
0x6d: {  	v8 =	vor.u32 v8, v9;
	s19 =	simm.s32 $0x80;
	[sflag:s20] =	ssyncadd.s32 @!p0 $0xFFFF9000  }
0x6e: {  	v10 =	vor.u32 v1, v8;
	v9 =	vld [tilespmem:s19+$0xFFFFFF80];
	_ =	sdelay $0x4  }
0x6f: {  	[tilespmem:v10+s11+$0x0] =	vst.idx.msk $0xffff, v9  }
0x70: {  	v10 =	vor.u32 v2, v8;
	v9 =	vld [tilespmem:s19+$0xFFFFFF90];
	_ =	sdelay $0x4  }
0x71: {  	[tilespmem:v10+s11+$0x0] =	vst.idx.msk $0xffff, v9  }
0x72: {  	v10 =	vor.u32 v3, v8;
	v9 =	vld [tilespmem:s19+$0xFFFFFFA0];
	_ =	sdelay $0x4  }
0x73: {  	[tilespmem:v10+s11+$0x0] =	vst.idx.msk $0xffff, v9  }
0x74: {  	v10 =	vor.u32 v4, v8;
	v9 =	vld [tilespmem:s19+$0xFFFFFFB0];
	_ =	sdelay $0x4  }
0x75: {  	[tilespmem:v10+s11+$0x0] =	vst.idx.msk $0xffff, v9  }
0x76: {  	v10 =	vor.u32 v5, v8;
	v9 =	vld [tilespmem:s19+$0xFFFFFFC0];
	_ =	sdelay $0x4  }
0x77: {  	[tilespmem:v10+s11+$0x0] =	vst.idx.msk $0xffff, v9  }
0x78: {  	v10 =	vor.u32 v6, v8;
	v9 =	vld [tilespmem:s19+$0xFFFFFFD0];
	_ =	sdelay $0x4  }
0x79: {  	[tilespmem:v10+s11+$0x0] =	vst.idx.msk $0xffff, v9  }
0x7a: {  	v8 =	vor.u32 v7, v8;
	v9 =	vld [tilespmem:s19+$0xFFFFFFE0]  }
0x7b: {  	s31 =	simm.s32 $0x3  }
0x7c: {  	v10 =	vmov s31  }
0x7d: {  	v11 =	vshll.u32 v10, $0x8;
	v10 =	vshll.u32 v10, $0x7  }
0x7e: {  	v11 =	vand.u32 $0x7FFFF800, v11;
	v10 =	vand.u32 $0x380, v10  }
0x7f: {  	[tilespmem:v8+s11+$0x0] =	vst.idx.msk $0xffff, v9;
	v9 =	vor.u32 v10, v11  }
0x80: {  	v8 =	vld [tilespmem:s19+$0x0];
	v10 =	vor.u32 v1, v9;
	_ =	sdelay $0x4  }
0x81: {  	[tilespmem:v10+s11+$0x0] =	vst.idx.msk $0xffff, v8  }
0x82: {  	v10 =	vor.u32 v2, v9;
	v8 =	vld [tilespmem:s19+$0x10];
	_ =	sdelay $0x4  }
0x83: {  	[tilespmem:v10+s11+$0x0] =	vst.idx.msk $0xffff, v8  }
0x84: {  	v10 =	vor.u32 v3, v9;
	v8 =	vld [tilespmem:s19+$0x20];
	_ =	sdelay $0x4  }
0x85: {  	[tilespmem:v10+s11+$0x0] =	vst.idx.msk $0xffff, v8  }
0x86: {  	v10 =	vor.u32 v4, v9;
	v8 =	vld [tilespmem:s19+$0x30];
	_ =	sdelay $0x4  }
0x87: {  	[tilespmem:v10+s11+$0x0] =	vst.idx.msk $0xffff, v8  }
0x88: {  	v10 =	vor.u32 v5, v9;
	v8 =	vld [tilespmem:s19+$0x40];
	_ =	sdelay $0x4  }
0x89: {  	[tilespmem:v10+s11+$0x0] =	vst.idx.msk $0xffff, v8  }
0x8a: {  	v10 =	vor.u32 v6, v9;
	v8 =	vld [tilespmem:s19+$0x50];
	_ =	sdelay $0x4  }
0x8b: {  	[tilespmem:v10+s11+$0x0] =	vst.idx.msk $0xffff, v8  }
0x8c: {  	v9 =	vor.u32 v7, v9;
	v8 =	vld [tilespmem:s19+$0x60]  }
0x8d: {  	s22 =	simm.s32 $0x5;
	s21 =	simm.s32 $0xB;
	s20 =	simm.s32 $0x7  }
.LBB2_5:
0x8e: {  	p1 =	sne.s32 s21, $0x6F;
	v10 =	vmov s22  }
0x8f: {  	v11 =	vshll.u32 v10, $0x8;
	v10 =	vshll.u32 v10, $0x7  }
0x90: {  	v11 =	vand.u32 $0x7800, v11;
	v10 =	vand.u32 $0x280, v10  }
0x91: {  	s19 =	sadd.s32 $0x100, s19;
	v10 =	vor.u32 v10, v11;
	[tilespmem:v9+s11+$0x0] =	vst.idx.msk $0xffff, v8  }
0x92: {  	v8 =	vld [tilespmem:s19+$0xFFFFFF80];
	v9 =	vor.u32 v1, v10;
	_ =	sdelay $0x4  }
0x93: {  	[tilespmem:v9+s11+$0x0] =	vst.idx.msk $0xffff, v8  }
0x94: {  	v9 =	vor.u32 v2, v10;
	v8 =	vld [tilespmem:s19+$0xFFFFFF90];
	_ =	sdelay $0x4  }
0x95: {  	[tilespmem:v9+s11+$0x0] =	vst.idx.msk $0xffff, v8  }
0x96: {  	v9 =	vor.u32 v3, v10;
	v8 =	vld [tilespmem:s19+$0xFFFFFFA0];
	_ =	sdelay $0x4  }
0x97: {  	[tilespmem:v9+s11+$0x0] =	vst.idx.msk $0xffff, v8  }
0x98: {  	v9 =	vor.u32 v4, v10;
	v8 =	vld [tilespmem:s19+$0xFFFFFFB0];
	_ =	sdelay $0x4  }
0x99: {  	[tilespmem:v9+s11+$0x0] =	vst.idx.msk $0xffff, v8  }
0x9a: {  	v9 =	vor.u32 v5, v10;
	v8 =	vld [tilespmem:s19+$0xFFFFFFC0];
	_ =	sdelay $0x4  }
0x9b: {  	[tilespmem:v9+s11+$0x0] =	vst.idx.msk $0xffff, v8  }
0x9c: {  	v9 =	vor.u32 v6, v10;
	v8 =	vld [tilespmem:s19+$0xFFFFFFD0];
	_ =	sdelay $0x4  }
0x9d: {  	[tilespmem:v9+s11+$0x0] =	vst.idx.msk $0xffff, v8  }
0x9e: {  	v9 =	vor.u32 v7, v10;
	v8 =	vld [tilespmem:s19+$0xFFFFFFE0];
	_ =	sdelay $0x1  }
0x9f: {  	v10 =	vmov s20;
	s20 =	smov.u32 s21  }
0xa0: {  	v11 =	vshll.u32 v10, $0x8;
	v10 =	vshll.u32 v10, $0x7  }
0xa1: {  	v11 =	vand.u32 $0x7FFFF800, v11;
	v10 =	vand.u32 $0x380, v10  }
0xa2: {  	[tilespmem:v9+s11+$0x0] =	vst.idx.msk $0xffff, v8;
	v9 =	vor.u32 v10, v11  }
0xa3: {  	v8 =	vld [tilespmem:s19+$0x0];
	v10 =	vor.u32 v1, v9;
	_ =	sdelay $0x4  }
0xa4: {  	[tilespmem:v10+s11+$0x0] =	vst.idx.msk $0xffff, v8  }
0xa5: {  	v10 =	vor.u32 v2, v9;
	v8 =	vld [tilespmem:s19+$0x10];
	_ =	sdelay $0x4  }
0xa6: {  	[tilespmem:v10+s11+$0x0] =	vst.idx.msk $0xffff, v8  }
0xa7: {  	v10 =	vor.u32 v3, v9;
	v8 =	vld [tilespmem:s19+$0x20];
	_ =	sdelay $0x4  }
0xa8: {  	[tilespmem:v10+s11+$0x0] =	vst.idx.msk $0xffff, v8  }
0xa9: {  	v10 =	vor.u32 v4, v9;
	v8 =	vld [tilespmem:s19+$0x30];
	_ =	sdelay $0x4  }
0xaa: {  	[tilespmem:v10+s11+$0x0] =	vst.idx.msk $0xffff, v8  }
0xab: {  	v10 =	vor.u32 v5, v9;
	v8 =	vld [tilespmem:s19+$0x40];
	_ =	sdelay $0x4  }
0xac: {  	[tilespmem:v10+s11+$0x0] =	vst.idx.msk $0xffff, v8  }
0xad: {  	v10 =	vor.u32 v6, v9;
	v8 =	vld [tilespmem:s19+$0x50];
	_ =	sdelay $0x2  }
.Ltmp1:
0xae: {  	(pc) =	sbr.rel @p1 .LBB2_5-.Ltmp1, $4  }
0xaf: {  	_ = 	snop  }
0xb0: {  	[tilespmem:v10+s11+$0x0] =	vst.idx.msk $0xffff, v8  }
0xb1: {  	v9 =	vor.u32 v7, v9;
	v8 =	vld [tilespmem:s19+$0x60]  }
0xb2: {  	s21 =	sadd.s32 $0x4, s21;
	s22 =	sadd.s32 $0xFFFFFFFE, s20  }
0xb3: {  	_ = 	snop  }
0xb4: {  	v10 =	vmov s22  }
0xb5: {  	v11 =	vshll.u32 v10, $0x8;
	v10 =	vshll.u32 v10, $0x7  }
0xb6: {  	v11 =	vand.u32 $0x7800, v11;
	v10 =	vand.u32 $0x280, v10  }
0xb7: {  	s19 =	sadd.s32 $0x100, s19;
	v10 =	vor.u32 v10, v11;
	[tilespmem:v9+s11+$0x0] =	vst.idx.msk $0xffff, v8  }
0xb8: {  	v8 =	vld [tilespmem:s19+$0xFFFFFF80];
	v50 =	vor.u32 v1, v10;
	_ =	sdelay $0x4  }
0xb9: {  	[tilespmem:v50+s11+$0x0] =	vst.idx.msk $0xffff, v8  }
0xba: {  	v51 =	vor.u32 v2, v10;
	v8 =	vld [tilespmem:s19+$0xFFFFFF90];
	_ =	sdelay $0x4  }
0xbb: {  	[tilespmem:v51+s11+$0x0] =	vst.idx.msk $0xffff, v8  }
0xbc: {  	v52 =	vor.u32 v3, v10;
	v8 =	vld [tilespmem:s19+$0xFFFFFFA0];
	_ =	sdelay $0x4  }
0xbd: {  	[tilespmem:v52+s11+$0x0] =	vst.idx.msk $0xffff, v8  }
0xbe: {  	v53 =	vor.u32 v4, v10;
	v8 =	vld [tilespmem:s19+$0xFFFFFFB0];
	_ =	sdelay $0x4  }
0xbf: {  	[tilespmem:v53+s11+$0x0] =	vst.idx.msk $0xffff, v8  }
0xc0: {  	v54 =	vor.u32 v5, v10;
	v8 =	vld [tilespmem:s19+$0xFFFFFFC0];
	_ =	sdelay $0x4  }
0xc1: {  	[tilespmem:v54+s11+$0x0] =	vst.idx.msk $0xffff, v8  }
0xc2: {  	v55 =	vor.u32 v6, v10;
	v8 =	vld [tilespmem:s19+$0xFFFFFFD0];
	_ =	sdelay $0x4  }
0xc3: {  	[tilespmem:v55+s11+$0x0] =	vst.idx.msk $0xffff, v8  }
0xc4: {  	v56 =	vor.u32 v7, v10;
	v8 =	vld [tilespmem:s19+$0xFFFFFFE0];
	_ =	sdelay $0x1  }
0xc5: {  	v57 =	vmov s20  }
0xc6: {  	v58 =	vshll.u32 v57, $0x8;
	v10 =	vshll.u32 v57, $0x7  }
0xc7: {  	v11 =	vand.u32 $0x7FFFF800, v58;
	v10 =	vand.u32 $0x380, v10  }
0xc8: {  	[tilespmem:v56+s11+$0x0] =	vst.idx.msk $0xffff, v8;
	v8 =	vor.u32 v10, v11  }
0xc9: {  	v9 =	vld [tilespmem:s19+$0x0];
	v10 =	vor.u32 v1, v8;
	_ =	sdelay $0x4  }
0xca: {  	[tilespmem:v10+s11+$0x0] =	vst.idx.msk $0xffff, v9  }
0xcb: {  	v59 =	vor.u32 v2, v8;
	v9 =	vld [tilespmem:s19+$0x10];
	_ =	sdelay $0x4  }
0xcc: {  	[tilespmem:v59+s11+$0x0] =	vst.idx.msk $0xffff, v9  }
0xcd: {  	v60 =	vor.u32 v3, v8;
	v9 =	vld [tilespmem:s19+$0x20];
	_ =	sdelay $0x4  }
0xce: {  	[tilespmem:v60+s11+$0x0] =	vst.idx.msk $0xffff, v9  }
0xcf: {  	v61 =	vor.u32 v4, v8;
	v9 =	vld [tilespmem:s19+$0x30];
	_ =	sdelay $0x4  }
0xd0: {  	[tilespmem:v61+s11+$0x0] =	vst.idx.msk $0xffff, v9  }
0xd1: {  	v62 =	vor.u32 v5, v8;
	v9 =	vld [tilespmem:s19+$0x40];
	_ =	sdelay $0x4  }
0xd2: {  	[tilespmem:v62+s11+$0x0] =	vst.idx.msk $0xffff, v9  }
0xd3: {  	v63 =	vor.u32 v6, v8;
	v9 =	vld [tilespmem:s19+$0x50];
	_ =	sdelay $0x4  }
0xd4: {  	[tilespmem:v63+s11+$0x0] =	vst.idx.msk $0xffff, v9  }
0xd5: {  	v8 =	vor.u32 v7, v8;
	v9 =	vld [tilespmem:s19+$0x60]  }
0xd6: {  	p1 =	sne.s32 s17, $0x17  }
.Ltmp2:
0xd7: {  	_ = 	snop;
	(pc) =	sbr.rel @p1 .LBB2_8-.Ltmp2, $3  }
0xd8: {  	s31 =	smul.u32 $0x1C00, s18;
	_ =	sdelay $0x1  }
0xd9: {  	s19 =	sadd.s32 s3, s31;
	[tilespmem:v8+s11+$0x0] =	vst.idx.msk $0xffff, v9  }
0xda: {  	[hbm4b:s19+s4] =	stream.linear.scatter [tilespmem:s11], [sflag:$0x3], $0x7000, $0x38;
	[tilespmem:$0x11800] =	vst v63  }
.Ltmp3:
0xdb: {  	(pc) =	sbr.rel .LBB2_9-.Ltmp3, $4  }
0xdc: {  	_ = 	snop  }
0xdd: {  	_ =	swait.ge [sflag:s12], $0x1C00  }
0xde: {  	[sflag:s12] =	ssyncset.done $0x0  }
0xdf: {  	[sflag:s12] =	ssyncadd.s32 $0xFFFFE400  }
.LBB2_8:
0xe0: {  	s19 =	sadd.s32 s17, s7  }
0xe1: {  	s19 =	smul.u32 $0x700, s19;
	_ =	sdelay $0x1  }
.Ltmp4:
0xe2: {  	s19 =	sadd.s32 s2, s19;
	(pc) =	sbr.rel @p0 .LBB2_10-.Ltmp4, $4  }
0xe3: {  	[tilespmem:s4], [sflag:$0x1] =	stream.linear.gather [hbm4b:s19+s4], $0x1C00, $0x38;
	[tilespmem:$0x11800] =	vst v63  }
0xe4: {  	_ =	swait.ge [sflag:s12], $0x1C00  }
0xe5: {  	[sflag:s12] =	ssyncset.done $0x0  }
0xe6: {  	[sflag:s12] =	ssyncadd.s32 $0xFFFFE400  }
.LBB2_9:
0xe7: {  	_ =	swait.ge [sflag:s13], $0x7000  }
0xe8: {  	[sflag:s13] =	ssyncset.done $0x0  }
0xe9: {  	[sflag:s13] =	ssyncadd.s32 $0xFFFF9000  }
.LBB2_10:
0xea: {  	s19 =	simm.s32 $0x1  }
0xeb: {  	v8 =	vmov s19  }
0xec: {  	v9 =	vshll.u32 v8, $0x8;
	v8 =	vshll.u32 v8, $0x7  }
0xed: {  	v9 =	vand.u32 $0x7800, v9;
	v8 =	vand.u32 $0x280, v8  }
0xee: {  	s19 =	simm.s32 $0x1C80;
	v8 =	vor.u32 v8, v9  }
0xef: {  	v9 =	vld [tilespmem:s19+$0xFFFFFF80];
	v10 =	vor.u32 v1, v8;
	_ =	sdelay $0x4  }
0xf0: {  	[tilespmem:v10+s14+$0x0] =	vst.idx.msk $0xffff, v9  }
0xf1: {  	v10 =	vor.u32 v2, v8;
	v9 =	vld [tilespmem:s19+$0xFFFFFF90];
	_ =	sdelay $0x4  }
0xf2: {  	[tilespmem:v10+s14+$0x0] =	vst.idx.msk $0xffff, v9  }
0xf3: {  	v10 =	vor.u32 v3, v8;
	v9 =	vld [tilespmem:s19+$0xFFFFFFA0];
	_ =	sdelay $0x4  }
0xf4: {  	[tilespmem:v10+s14+$0x0] =	vst.idx.msk $0xffff, v9  }
0xf5: {  	v10 =	vor.u32 v4, v8;
	v9 =	vld [tilespmem:s19+$0xFFFFFFB0];
	_ =	sdelay $0x4  }
0xf6: {  	[tilespmem:v10+s14+$0x0] =	vst.idx.msk $0xffff, v9  }
0xf7: {  	v10 =	vor.u32 v5, v8;
	v9 =	vld [tilespmem:s19+$0xFFFFFFC0];
	_ =	sdelay $0x4  }
0xf8: {  	[tilespmem:v10+s14+$0x0] =	vst.idx.msk $0xffff, v9  }
0xf9: {  	v10 =	vor.u32 v6, v8;
	v9 =	vld [tilespmem:s19+$0xFFFFFFD0];
	_ =	sdelay $0x4  }
0xfa: {  	[tilespmem:v10+s14+$0x0] =	vst.idx.msk $0xffff, v9  }
0xfb: {  	v8 =	vor.u32 v7, v8;
	v9 =	vld [tilespmem:s19+$0xFFFFFFE0]  }
0xfc: {  	s20 =	simm.s32 $0x3  }
0xfd: {  	v10 =	vmov s20  }
0xfe: {  	v11 =	vshll.u32 v10, $0x8;
	v10 =	vshll.u32 v10, $0x7  }
0xff: {  	v11 =	vand.u32 $0x7FFFF800, v11;
	v10 =	vand.u32 $0x380, v10  }
0x100: {  	[tilespmem:v8+s14+$0x0] =	vst.idx.msk $0xffff, v9;
	v9 =	vor.u32 v10, v11  }
0x101: {  	v8 =	vld [tilespmem:s19+$0x0];
	v10 =	vor.u32 v1, v9;
	_ =	sdelay $0x4  }
0x102: {  	[tilespmem:v10+s14+$0x0] =	vst.idx.msk $0xffff, v8  }
0x103: {  	v10 =	vor.u32 v2, v9;
	v8 =	vld [tilespmem:s19+$0x10];
	_ =	sdelay $0x4  }
0x104: {  	[tilespmem:v10+s14+$0x0] =	vst.idx.msk $0xffff, v8  }
0x105: {  	v10 =	vor.u32 v3, v9;
	v8 =	vld [tilespmem:s19+$0x20];
	_ =	sdelay $0x4  }
0x106: {  	[tilespmem:v10+s14+$0x0] =	vst.idx.msk $0xffff, v8  }
0x107: {  	v10 =	vor.u32 v4, v9;
	v8 =	vld [tilespmem:s19+$0x30];
	_ =	sdelay $0x4  }
0x108: {  	[tilespmem:v10+s14+$0x0] =	vst.idx.msk $0xffff, v8  }
0x109: {  	v10 =	vor.u32 v5, v9;
	v8 =	vld [tilespmem:s19+$0x40];
	_ =	sdelay $0x4  }
0x10a: {  	[tilespmem:v10+s14+$0x0] =	vst.idx.msk $0xffff, v8  }
0x10b: {  	v10 =	vor.u32 v6, v9;
	v8 =	vld [tilespmem:s19+$0x50];
	_ =	sdelay $0x4  }
0x10c: {  	[tilespmem:v10+s14+$0x0] =	vst.idx.msk $0xffff, v8  }
0x10d: {  	v9 =	vor.u32 v7, v9;
	v8 =	vld [tilespmem:s19+$0x60]  }
0x10e: {  	s22 =	simm.s32 $0x5;
	s21 =	simm.s32 $0xB;
	s20 =	simm.s32 $0x7  }
.LBB2_11:
0x10f: {  	p0 =	sne.s32 s21, $0x6F;
	v10 =	vmov s22  }
0x110: {  	v11 =	vshll.u32 v10, $0x8;
	v10 =	vshll.u32 v10, $0x7  }
0x111: {  	v11 =	vand.u32 $0x7800, v11;
	v10 =	vand.u32 $0x280, v10  }
0x112: {  	s19 =	sadd.s32 $0x100, s19;
	v10 =	vor.u32 v10, v11;
	[tilespmem:v9+s14+$0x0] =	vst.idx.msk $0xffff, v8  }
0x113: {  	v8 =	vld [tilespmem:s19+$0xFFFFFF80];
	v9 =	vor.u32 v1, v10;
	_ =	sdelay $0x4  }
0x114: {  	[tilespmem:v9+s14+$0x0] =	vst.idx.msk $0xffff, v8  }
0x115: {  	v9 =	vor.u32 v2, v10;
	v8 =	vld [tilespmem:s19+$0xFFFFFF90];
	_ =	sdelay $0x4  }
0x116: {  	[tilespmem:v9+s14+$0x0] =	vst.idx.msk $0xffff, v8  }
0x117: {  	v9 =	vor.u32 v3, v10;
	v8 =	vld [tilespmem:s19+$0xFFFFFFA0];
	_ =	sdelay $0x4  }
0x118: {  	[tilespmem:v9+s14+$0x0] =	vst.idx.msk $0xffff, v8  }
0x119: {  	v9 =	vor.u32 v4, v10;
	v8 =	vld [tilespmem:s19+$0xFFFFFFB0];
	_ =	sdelay $0x4  }
0x11a: {  	[tilespmem:v9+s14+$0x0] =	vst.idx.msk $0xffff, v8  }
0x11b: {  	v9 =	vor.u32 v5, v10;
	v8 =	vld [tilespmem:s19+$0xFFFFFFC0];
	_ =	sdelay $0x4  }
0x11c: {  	[tilespmem:v9+s14+$0x0] =	vst.idx.msk $0xffff, v8  }
0x11d: {  	v9 =	vor.u32 v6, v10;
	v8 =	vld [tilespmem:s19+$0xFFFFFFD0];
	_ =	sdelay $0x4  }
0x11e: {  	[tilespmem:v9+s14+$0x0] =	vst.idx.msk $0xffff, v8  }
0x11f: {  	v9 =	vor.u32 v7, v10;
	v8 =	vld [tilespmem:s19+$0xFFFFFFE0];
	_ =	sdelay $0x1  }
0x120: {  	v10 =	vmov s20;
	s20 =	smov.u32 s21  }
0x121: {  	v11 =	vshll.u32 v10, $0x8;
	v10 =	vshll.u32 v10, $0x7  }
0x122: {  	v11 =	vand.u32 $0x7FFFF800, v11;
	v10 =	vand.u32 $0x380, v10  }
0x123: {  	[tilespmem:v9+s14+$0x0] =	vst.idx.msk $0xffff, v8;
	v9 =	vor.u32 v10, v11  }
0x124: {  	v8 =	vld [tilespmem:s19+$0x0];
	v10 =	vor.u32 v1, v9;
	_ =	sdelay $0x4  }
0x125: {  	[tilespmem:v10+s14+$0x0] =	vst.idx.msk $0xffff, v8  }
0x126: {  	v10 =	vor.u32 v2, v9;
	v8 =	vld [tilespmem:s19+$0x10];
	_ =	sdelay $0x4  }
0x127: {  	[tilespmem:v10+s14+$0x0] =	vst.idx.msk $0xffff, v8  }
0x128: {  	v10 =	vor.u32 v3, v9;
	v8 =	vld [tilespmem:s19+$0x20];
	_ =	sdelay $0x4  }
0x129: {  	[tilespmem:v10+s14+$0x0] =	vst.idx.msk $0xffff, v8  }
0x12a: {  	v10 =	vor.u32 v4, v9;
	v8 =	vld [tilespmem:s19+$0x30];
	_ =	sdelay $0x4  }
0x12b: {  	[tilespmem:v10+s14+$0x0] =	vst.idx.msk $0xffff, v8  }
0x12c: {  	v10 =	vor.u32 v5, v9;
	v8 =	vld [tilespmem:s19+$0x40];
	_ =	sdelay $0x4  }
0x12d: {  	[tilespmem:v10+s14+$0x0] =	vst.idx.msk $0xffff, v8  }
0x12e: {  	v10 =	vor.u32 v6, v9;
	v8 =	vld [tilespmem:s19+$0x50];
	_ =	sdelay $0x2  }
.Ltmp5:
0x12f: {  	(pc) =	sbr.rel @p0 .LBB2_11-.Ltmp5, $4  }
0x130: {  	_ = 	snop  }
0x131: {  	[tilespmem:v10+s14+$0x0] =	vst.idx.msk $0xffff, v8  }
0x132: {  	v9 =	vor.u32 v7, v9;
	v8 =	vld [tilespmem:s19+$0x60]  }
0x133: {  	s21 =	sadd.s32 $0x4, s21;
	s22 =	sadd.s32 $0xFFFFFFFE, s20  }
0x134: {  	_ = 	snop  }
0x135: {  	v10 =	vmov s22  }
0x136: {  	v11 =	vshll.u32 v10, $0x8;
	v10 =	vshll.u32 v10, $0x7  }
0x137: {  	v11 =	vand.u32 $0x7800, v11;
	v10 =	vand.u32 $0x280, v10  }
0x138: {  	s19 =	sadd.s32 $0x100, s19;
	v10 =	vor.u32 v10, v11;
	[tilespmem:v9+s14+$0x0] =	vst.idx.msk $0xffff, v8  }
0x139: {  	v8 =	vld [tilespmem:s19+$0xFFFFFF80];
	v50 =	vor.u32 v1, v10;
	_ =	sdelay $0x4  }
0x13a: {  	[tilespmem:v50+s14+$0x0] =	vst.idx.msk $0xffff, v8  }
0x13b: {  	v51 =	vor.u32 v2, v10;
	v8 =	vld [tilespmem:s19+$0xFFFFFF90];
	_ =	sdelay $0x4  }
0x13c: {  	[tilespmem:v51+s14+$0x0] =	vst.idx.msk $0xffff, v8  }
0x13d: {  	v52 =	vor.u32 v3, v10;
	v8 =	vld [tilespmem:s19+$0xFFFFFFA0];
	_ =	sdelay $0x4  }
0x13e: {  	[tilespmem:v52+s14+$0x0] =	vst.idx.msk $0xffff, v8  }
0x13f: {  	v53 =	vor.u32 v4, v10;
	v8 =	vld [tilespmem:s19+$0xFFFFFFB0];
	_ =	sdelay $0x4  }
0x140: {  	[tilespmem:v53+s14+$0x0] =	vst.idx.msk $0xffff, v8  }
0x141: {  	v54 =	vor.u32 v5, v10;
	v8 =	vld [tilespmem:s19+$0xFFFFFFC0];
	_ =	sdelay $0x4  }
0x142: {  	[tilespmem:v54+s14+$0x0] =	vst.idx.msk $0xffff, v8  }
0x143: {  	v55 =	vor.u32 v6, v10;
	v8 =	vld [tilespmem:s19+$0xFFFFFFD0];
	_ =	sdelay $0x4  }
0x144: {  	[tilespmem:v55+s14+$0x0] =	vst.idx.msk $0xffff, v8  }
0x145: {  	v56 =	vor.u32 v7, v10;
	v8 =	vld [tilespmem:s19+$0xFFFFFFE0];
	_ =	sdelay $0x1  }
0x146: {  	v57 =	vmov s20  }
0x147: {  	v58 =	vshll.u32 v57, $0x8;
	v10 =	vshll.u32 v57, $0x7  }
0x148: {  	v11 =	vand.u32 $0x7FFFF800, v58;
	v10 =	vand.u32 $0x380, v10  }
0x149: {  	[tilespmem:v56+s14+$0x0] =	vst.idx.msk $0xffff, v8;
	v8 =	vor.u32 v10, v11  }
0x14a: {  	v9 =	vld [tilespmem:s19+$0x0];
	v10 =	vor.u32 v1, v8;
	_ =	sdelay $0x4  }
0x14b: {  	[tilespmem:v10+s14+$0x0] =	vst.idx.msk $0xffff, v9  }
0x14c: {  	v59 =	vor.u32 v2, v8;
	v9 =	vld [tilespmem:s19+$0x10];
	_ =	sdelay $0x4  }
0x14d: {  	[tilespmem:v59+s14+$0x0] =	vst.idx.msk $0xffff, v9  }
0x14e: {  	v60 =	vor.u32 v3, v8;
	v9 =	vld [tilespmem:s19+$0x20];
	_ =	sdelay $0x4  }
0x14f: {  	[tilespmem:v60+s14+$0x0] =	vst.idx.msk $0xffff, v9  }
0x150: {  	v61 =	vor.u32 v4, v8;
	v9 =	vld [tilespmem:s19+$0x30];
	_ =	sdelay $0x4  }
0x151: {  	[tilespmem:v61+s14+$0x0] =	vst.idx.msk $0xffff, v9  }
0x152: {  	v62 =	vor.u32 v5, v8;
	v9 =	vld [tilespmem:s19+$0x40];
	_ =	sdelay $0x4  }
0x153: {  	[tilespmem:v62+s14+$0x0] =	vst.idx.msk $0xffff, v9  }
0x154: {  	v63 =	vor.u32 v6, v8;
	v9 =	vld [tilespmem:s19+$0x50];
	_ =	sdelay $0x4  }
0x155: {  	[tilespmem:v63+s14+$0x0] =	vst.idx.msk $0xffff, v9  }
0x156: {  	s17 =	sadd.s32 $0x1, s17;
	v8 =	vor.u32 v7, v8;
	v9 =	vld [tilespmem:s19+$0x60]  }
0x157: {  	s18 =	smul.u32 $0xE000, s18;
	p0 =	sne.s32 s17, $0x18  }
.Ltmp6:
0x158: {  	_ = 	snop;
	(pc) =	sbr.rel @p0 .LBB2_4-.Ltmp6, $4  }
0x159: {  	s18 =	sshrl.u32 s18, $0x3  }
0x15a: {  	s18 =	sadd.s32 s3, s18  }
0x15b: {  	s18 =	sadd.s32 $0xE00, s18;
	[tilespmem:v8+s14+$0x0] =	vst.idx.msk $0xffff, v9  }
0x15c: {  	[hbm4b:s18+s4] =	stream.linear.scatter [tilespmem:s14], [sflag:$0x4], $0x7000, $0x38;
	[tilespmem:$0x11800] =	vst v63  }
0x15d: {  	s16 =	sadd.s32 $0x1, s16  }
0x15e: {  	_ =	swait.ge [sflag:s15], $0x7000;
	p0 =	sne.s32 s16, s8  }
.Ltmp7:
0x15f: {  	[sflag:s15] =	ssyncset.done $0x0;
	(pc) =	sbr.rel @p0 .LBB2_1-.Ltmp7, $4  }
0x160: {  	[sflag:s15] =	ssyncadd.s32 $0xFFFF9000  }
0x161: {  	_ =	swait.ge [sflag:s13], $0x7000  }
0x162: {  	[sflag:s13] =	ssyncset.done $0x0  }
0x163: {  	[sflag:s13] =	ssyncadd.s32 $0xFFFF9000  }
0x164: {  	_ =	sfence.sel $0x180000  }
0x165: {  	[bflag:$0x0] =	sbarrier.arrive $0xFFFF  }
0x166: {  	p0 =	sne.s32 s0, $0x0;
	_ =	strace $0x90000047  }
0x167: {  	s0 =	sadd.s32 @!p0 $0x100000, s1;
	[bflag:$0x2] =	sbarrier.arrive $0xFFFF  }
0x168: {  	[sflag:s0] =	ssyncadd.tile.s32 @!p0 $0x1;
	_ =	shalt  }
.Lfunc_end2:
_tile_overlayer_lowered:
.L_overlay_start_2:
0x169: {  	(tag) =	ssettag $0x2  }
0x16a: {  	s0 =	rddreg [dreg:$0x0];
	s2 =	stileid.u32  }
0x16b: {  	s1 =	rddreg [dreg:$0x1];
	p0 =	sne.s32 s2, $0x0  }
0x16c: {  	s3 =	rddreg [dreg:$0x2];
	[bflag:$0x3] =	sbarrier.arrive $0xFFFF;
	s2 =	simm.s32 @!p0 $0x1C05  }
0x16d: {  	[timem:s3], [sflag:s2] =	dma.local @!p0 [hbm:s0], s1  }
0x16e: {  	s0 =	simm.s32 @!p0 $0x5  }
0x16f: {  	_ =	swait.ge @!p0 [sflag:s0], s1  }
0x170: {  	s1 =	ssub.s32 @!p0 $0x0, s1;
	[sflag:s0] =	ssyncset.done @!p0 $0x0  }
0x171: {  	[sflag:s0] =	ssyncadd.s32 @!p0 s1  }
0x172: {  	[bflag:$0x3] =	sbarrier.arrive $0xFFFF  }
0x173: {  	_ =	shalt  }

</sc_bundles>
